<compile_context>
chip_gen: v7x
topology: tpu7x:2x2x1
jax: 0.10.2.dev20260603
libtpu: 0.0.44.dev20260713+nightly
codegen_flags: <defaults>
</compile_context>

<pallas_src>
import functools

import jax
import jax.numpy as jnp
from jax import lax
from jax.experimental import pallas as pl
from jax.experimental.pallas import tpu as pltpu
from jax.experimental.pallas import tpu_sc as plsc

B = 4096
S = 77
D = 768
SP = 80
RP = B * SP
L = 16

NC = 2
NS = 16
NW = NC * NS
ROWS_PER_W = RP // NW
C = 16
NCHUNK = ROWS_PER_W // C
NBUF = 4
PF = 2

_mesh = plsc.VectorSubcoreMesh(core_axis_name="c", subcore_axis_name="s")


@functools.partial(
    pl.kernel,
    out_type=jax.ShapeDtypeStruct((RP, D), jnp.float32),
    mesh=_mesh,
    scratch_types=[
        pltpu.VMEM((ROWS_PER_W,), jnp.int32),
        pltpu.VMEM((SP * D,), jnp.float32),
        pltpu.VMEM((NBUF, C, D), jnp.float32),
    ]
    + [pltpu.SemaphoreType.DMA] * (2 * NBUF),
)
def _embed(ids_hbm, tok_hbm, pos_hbm, out_hbm, idx_all, pos_v, work, *sems):
    gsem = sems[:NBUF]
    ssem = sems[NBUF:]
    wid = lax.axis_index("s") * NC + lax.axis_index("c")
    base = wid * ROWS_PER_W
    pltpu.sync_copy(pos_hbm, pos_v)
    pltpu.sync_copy(ids_hbm.at[pl.ds(base, ROWS_PER_W)], idx_all)

    def gather(i, b):
        return pltpu.make_async_copy(
            tok_hbm.at[idx_all.at[pl.ds(i * C, C)]], work.at[b], gsem[b])

    def scatter(i, b):
        return pltpu.make_async_copy(
            work.at[b], out_hbm.at[pl.ds(base + i * C, C)], ssem[b])

    for b in range(PF):
        gather(b, b).start()

    def group(it, carry):
        for b in range(NBUF):
            i = it * NBUF + b
            bg = (b + PF) % NBUF

            @pl.when(jnp.logical_and(i + PF < NCHUNK, i + PF >= NBUF))
            def _():
                scatter(i + PF - NBUF, bg).wait()

            @pl.when(i + PF < NCHUNK)
            def _():
                gather(i + PF, bg).start()

            gather(i, b).wait()
            p0 = C * lax.rem(i, SP // C)

            @plsc.parallel_loop(0, C)
            def row(j):
                @plsc.parallel_loop(0, D // L, unroll=8)
                def vec(v):
                    x = pos_v[pl.ds((p0 + j) * D + v * L, L)]
                    plsc.addupdate(work.at[b, j, pl.ds(v * L, L)], x)

            scatter(i, b).start()
        return carry

    lax.fori_loop(0, NCHUNK // NBUF, group, 0)

    for i in range(NCHUNK - NBUF, NCHUNK):
        scatter(i, i % NBUF).wait()


def kernel(inputs, token_table, position_table):
    ids = jnp.pad(inputs.astype(jnp.int32), ((0, 0), (0, SP - S))).reshape(RP)
    pos = jnp.pad(position_table, ((0, SP - S), (0, 0))).reshape(SP * D)
    out = _embed(ids, token_table, pos)
    return out.reshape(B, SP, D)[:, :S, :]

# --- scband reference (transcript-rebuilt; emitter-appended) ---
"""Pipeline reference for scband-cliptext-embeddings-36739150250558 (READ-ONLY COPY).

The authoritative reference and input builder live on the scoring server;
editing this copy changes nothing except your own understanding.
"""

import jax, jax.numpy as jnp
import numpy as np

VOCAB = 49408
D = 768
MAX_POS = 77
B = 4096
S = 77

def setup_inputs(seed: int = 0) -> dict:
    key = jax.random.key(seed)
    k1, k2, k3 = jax.random.split(key, 3)
    inputs = jax.random.randint(k1, (B, S), 0, VOCAB, dtype=jnp.int64 if jax.config.jax_enable_x64 else jnp.int32)
    token_table = jax.random.normal(k2, (VOCAB, D), dtype=jnp.float32) * 0.02
    position_table = jax.random.normal(k3, (MAX_POS, D), dtype=jnp.float32) * 0.02
    return {"inputs": inputs, "token_table": token_table, "position_table": position_table}

def reference(inputs, token_table, position_table):
    # CLIPTextEmbeddings forward with input_ids (2-D int path), start_pos=None
    seq_len = inputs.shape[1]
    position_ids = jnp.arange(seq_len)  # default positions 0..S-1
    tok_emb = jnp.take(token_table, inputs, axis=0)            # [B, S, D] gather
    pos_emb = jnp.take(position_table, position_ids, axis=0)   # [S, D]
    return tok_emb + pos_emb[None, :, :]

if __name__ == "__main__":
    import jax
    _d = setup_inputs()
    print(jax.jit(kernel)(*tuple(_d.values())))

</pallas_src>

<mosaic_0001>
#map = affine_map<(d0, d1) -> (0)>
#map1 = affine_map<(d0, d1) -> (0, 0)>
module attributes {stable_mosaic.version = 14 : i64} {
  func.func @_embed(%arg0: i32, %arg1: i32, %arg2: memref<327680xi32, #tpu.memory_space<hbm>>, %arg3: memref<49408x768xf32, #tpu.memory_space<hbm>>, %arg4: memref<61440xf32, #tpu.memory_space<hbm>>, %arg5: memref<327680x768xf32, #tpu.memory_space<hbm>>, %arg6: memref<10240xi32, #tpu.memory_space<vmem>>, %arg7: memref<61440xf32, #tpu.memory_space<vmem>>, %arg8: memref<4x16x768xf32, #tpu.memory_space<vmem>>, %arg9: memref<!tpu.dma_semaphore, #tpu.memory_space<semaphore_mem>>, %arg10: memref<!tpu.dma_semaphore, #tpu.memory_space<semaphore_mem>>, %arg11: memref<!tpu.dma_semaphore, #tpu.memory_space<semaphore_mem>>, %arg12: memref<!tpu.dma_semaphore, #tpu.memory_space<semaphore_mem>>, %arg13: memref<!tpu.dma_semaphore, #tpu.memory_space<semaphore_mem>>, %arg14: memref<!tpu.dma_semaphore, #tpu.memory_space<semaphore_mem>>, %arg15: memref<!tpu.dma_semaphore, #tpu.memory_space<semaphore_mem>>, %arg16: memref<!tpu.dma_semaphore, #tpu.memory_space<semaphore_mem>>) attributes {dimension_semantics = [#tpu.dimension_semantics<core_parallel>, #tpu.dimension_semantics<subcore_parallel>], iteration_bounds = array<i64: 2, 16>, scalar_prefetch = 0 : i64, scratch_operands = 11 : i64, tpu.core_type = #tpu.core_type<sc_vector_subcore>, window_params = [{transform_indices = #map}, {transform_indices = #map1}, {transform_indices = #map}, {transform_indices = #map1}]} {
    %mul3A = arith.constant 2 : i32
    %mul3A_0 = arith.muli %arg1, %mul3A : i32
    %add3A = arith.addi %mul3A_0, %arg0 : i32
    %mul3A_1 = arith.constant 10240 : i32
    %mul3A_2 = arith.muli %add3A, %mul3A_1 : i32
    "tpu.region"() ({
      %run_scoped3A = tpu.sem_alloc : memref<!tpu.dma_semaphore, #tpu.memory_space<semaphore_mem>>
      tpu.enqueue_dma source(%arg4 : memref<61440xf32, #tpu.memory_space<hbm>>) target(%arg7 : memref<61440xf32, #tpu.memory_space<vmem>>) target_semaphore(%run_scoped3A : memref<!tpu.dma_semaphore, #tpu.memory_space<semaphore_mem>>)
      tpu.wait_dma2 semaphore(%run_scoped3A : memref<!tpu.dma_semaphore, #tpu.memory_space<semaphore_mem>>) src(%arg4 : memref<61440xf32, #tpu.memory_space<hbm>>) dst(%arg7 : memref<61440xf32, #tpu.memory_space<vmem>>)
      tpu.yield
    }) : () -> ()
    "tpu.region"() ({
      %run_scoped3A = tpu.sem_alloc : memref<!tpu.dma_semaphore, #tpu.memory_space<semaphore_mem>>
      %dma_start3A_86 = tpu.memref_slice %arg2[%mul3A_2] : memref<327680xi32, #tpu.memory_space<hbm>> -> memref<10240xi32, #tpu.memory_space<hbm>>
      %dma_start3A_87 = tpu.memref_slice %arg2[%mul3A_2] : memref<327680xi32, #tpu.memory_space<hbm>> -> memref<10240xi32, #tpu.memory_space<hbm>>
      tpu.enqueue_dma source(%dma_start3A_87 : memref<10240xi32, #tpu.memory_space<hbm>>) target(%arg6 : memref<10240xi32, #tpu.memory_space<vmem>>) target_semaphore(%run_scoped3A : memref<!tpu.dma_semaphore, #tpu.memory_space<semaphore_mem>>)
      %dma_wait3A_88 = tpu.memref_slice %arg2[%mul3A_2] : memref<327680xi32, #tpu.memory_space<hbm>> -> memref<10240xi32, #tpu.memory_space<hbm>>
      %dma_wait3A_89 = tpu.memref_slice %arg2[%mul3A_2] : memref<327680xi32, #tpu.memory_space<hbm>> -> memref<10240xi32, #tpu.memory_space<hbm>>
      tpu.wait_dma2 semaphore(%run_scoped3A : memref<!tpu.dma_semaphore, #tpu.memory_space<semaphore_mem>>) src(%dma_wait3A_89 : memref<10240xi32, #tpu.memory_space<hbm>>) dst(%arg6 : memref<10240xi32, #tpu.memory_space<vmem>>)
      tpu.yield
    }) : () -> ()
    %dma_start3A = arith.constant 0 : i32
    %dma_start3A_3 = arith.constant 0 : i32
    %dma_start3A_4 = arith.constant 0 : i32
    %dma_start3A_5 = tpu.memref_slice %arg8[%dma_start3A, %dma_start3A_3, %dma_start3A_4] : memref<4x16x768xf32, #tpu.memory_space<vmem>> -> memref<1x16x768xf32, #tpu.memory_space<vmem>>
    %dma_start3A_6 = tpu.memref_squeeze %dma_start3A_5 : memref<1x16x768xf32, #tpu.memory_space<vmem>> -> memref<16x768xf32, #tpu.memory_space<vmem>>
    %dma_start3A_7 = arith.constant 0 : i32
    %dma_start3A_8 = tpu.memref_slice %arg6[%dma_start3A_7] : memref<10240xi32, #tpu.memory_space<vmem>> -> memref<16xi32, #tpu.memory_space<vmem>>
    %dma_start3A_9 = arith.constant 0 : i32
    %dma_start3A_10 = arith.constant 0 : i32
    %dma_start3A_11 = tpu.memref_slice %arg3[%dma_start3A_9, %dma_start3A_10] : memref<49408x768xf32, #tpu.memory_space<hbm>> -> memref<49408x768xf32, #tpu.memory_space<hbm>>
    tpu.enqueue_indirect_dma source(%dma_start3A_11 : memref<49408x768xf32, #tpu.memory_space<hbm>>) target(%dma_start3A_6 : memref<16x768xf32, #tpu.memory_space<vmem>>) offsets(%dma_start3A_8 : memref<16xi32, #tpu.memory_space<vmem>>) semaphore(%arg9 : memref<!tpu.dma_semaphore, #tpu.memory_space<semaphore_mem>>)
    %dma_start3A_12 = arith.constant 1 : i32
    %dma_start3A_13 = arith.constant 0 : i32
    %dma_start3A_14 = arith.constant 0 : i32
    %dma_start3A_15 = tpu.memref_slice %arg8[%dma_start3A_12, %dma_start3A_13, %dma_start3A_14] : memref<4x16x768xf32, #tpu.memory_space<vmem>> -> memref<1x16x768xf32, #tpu.memory_space<vmem>>
    %dma_start3A_16 = tpu.memref_squeeze %dma_start3A_15 : memref<1x16x768xf32, #tpu.memory_space<vmem>> -> memref<16x768xf32, #tpu.memory_space<vmem>>
    %dma_start3A_17 = arith.constant 16 : i32
    %dma_start3A_18 = tpu.memref_slice %arg6[%dma_start3A_17] : memref<10240xi32, #tpu.memory_space<vmem>> -> memref<16xi32, #tpu.memory_space<vmem>>
    %dma_start3A_19 = arith.constant 0 : i32
    %dma_start3A_20 = arith.constant 0 : i32
    %dma_start3A_21 = tpu.memref_slice %arg3[%dma_start3A_19, %dma_start3A_20] : memref<49408x768xf32, #tpu.memory_space<hbm>> -> memref<49408x768xf32, #tpu.memory_space<hbm>>
    tpu.enqueue_indirect_dma source(%dma_start3A_21 : memref<49408x768xf32, #tpu.memory_space<hbm>>) target(%dma_start3A_16 : memref<16x768xf32, #tpu.memory_space<vmem>>) offsets(%dma_start3A_18 : memref<16xi32, #tpu.memory_space<vmem>>) semaphore(%arg10 : memref<!tpu.dma_semaphore, #tpu.memory_space<semaphore_mem>>)
    %scan3A = arith.constant 0 : i32
    %scan3A_22 = arith.constant 0 : i32
    %scan3A_23 = arith.constant 160 : i32
    %scan3A_24 = arith.addi %scan3A_22, %scan3A_23 : i32
    %scan3A_25 = arith.constant 1 : i32
    scf.for %scan3A_86 = %scan3A_22 to %scan3A_24 step %scan3A_25  : i32 {
      %mul3A_87 = arith.constant 4 : i32
      %mul3A_88 = arith.muli %scan3A_86, %mul3A_87 : i32
      %add3A_89 = arith.constant 0 : i32
      %add3A_90 = arith.addi %mul3A_88, %add3A_89 : i32
      %add3A_91 = arith.constant 2 : i32
      %add3A_92 = arith.addi %add3A_90, %add3A_91 : i32
      %lt3A = arith.constant 640 : i32
      %lt3A_93 = arith.cmpi slt, %add3A_92, %lt3A : i32
      %add3A_94 = arith.constant 2 : i32
      %add3A_95 = arith.addi %add3A_90, %add3A_94 : i32
      %ge3A = arith.constant 4 : i32
      %ge3A_96 = arith.cmpi sge, %add3A_95, %ge3A : i32
      %and3A = arith.andi %lt3A_93, %ge3A_96 : i1
      %convert_element_type3A = arith.extui %and3A : i1 to i32
      %cond3A = arith.constant 0 : i32
      %cond3A_97 = arith.cmpi ne, %convert_element_type3A, %cond3A : i32
      scf.if %cond3A_97 {
        %add3A_308 = arith.constant 2 : i32
        %add3A_309 = arith.addi %add3A_90, %add3A_308 : i32
        %sub3A = arith.constant 4 : i32
        %sub3A_310 = arith.subi %add3A_309, %sub3A : i32
        %mul3A_311 = arith.constant 16 : i32
        %mul3A_312 = arith.muli %sub3A_310, %mul3A_311 : i32
        %add3A_313 = arith.addi %mul3A_2, %mul3A_312 : i32
        %dma_wait3A_314 = arith.constant 2 : i32
        %dma_wait3A_315 = arith.constant 0 : i32
        %dma_wait3A_316 = arith.constant 0 : i32
        %dma_wait3A_317 = tpu.memref_slice %arg8[%dma_wait3A_314, %dma_wait3A_315, %dma_wait3A_316] : memref<4x16x768xf32, #tpu.memory_space<vmem>> -> memref<1x16x768xf32, #tpu.memory_space<vmem>>
        %dma_wait3A_318 = tpu.memref_squeeze %dma_wait3A_317 : memref<1x16x768xf32, #tpu.memory_space<vmem>> -> memref<16x768xf32, #tpu.memory_space<vmem>>
        %dma_wait3A_319 = arith.constant 0 : i32
        %dma_wait3A_320 = tpu.memref_slice %arg5[%add3A_313, %dma_wait3A_319] : memref<327680x768xf32, #tpu.memory_space<hbm>> -> memref<16x768xf32, #tpu.memory_space<hbm>>
        %dma_wait3A_321 = arith.constant 0 : i32
        %dma_wait3A_322 = tpu.memref_slice %arg5[%add3A_313, %dma_wait3A_321] : memref<327680x768xf32, #tpu.memory_space<hbm>> -> memref<16x768xf32, #tpu.memory_space<hbm>>
        %dma_wait3A_323 = arith.constant 0 : i32
        %dma_wait3A_324 = arith.constant 0 : i32
        %dma_wait3A_325 = tpu.memref_slice %arg8[%dma_wait3A_314, %dma_wait3A_323, %dma_wait3A_324] : memref<4x16x768xf32, #tpu.memory_space<vmem>> -> memref<1x16x768xf32, #tpu.memory_space<vmem>>
        %dma_wait3A_326 = tpu.memref_squeeze %dma_wait3A_325 : memref<1x16x768xf32, #tpu.memory_space<vmem>> -> memref<16x768xf32, #tpu.memory_space<vmem>>
        tpu.wait_dma2 semaphore(%arg15 : memref<!tpu.dma_semaphore, #tpu.memory_space<semaphore_mem>>) src(%dma_wait3A_326 : memref<16x768xf32, #tpu.memory_space<vmem>>) dst(%dma_wait3A_322 : memref<16x768xf32, #tpu.memory_space<hbm>>)
      } else {
      }
      %add3A_98 = arith.constant 2 : i32
      %add3A_99 = arith.addi %add3A_90, %add3A_98 : i32
      %lt3A_100 = arith.constant 640 : i32
      %lt3A_101 = arith.cmpi slt, %add3A_99, %lt3A_100 : i32
      %convert_element_type3A_102 = arith.extui %lt3A_101 : i1 to i32
      %cond3A_103 = arith.constant 0 : i32
      %cond3A_104 = arith.cmpi ne, %convert_element_type3A_102, %cond3A_103 : i32
      scf.if %cond3A_104 {
        %add3A_308 = arith.constant 2 : i32
        %add3A_309 = arith.addi %add3A_90, %add3A_308 : i32
        %mul3A_310 = arith.constant 16 : i32
        %mul3A_311 = arith.muli %add3A_309, %mul3A_310 : i32
        %dma_start3A_312 = arith.constant 2 : i32
        %dma_start3A_313 = arith.constant 0 : i32
        %dma_start3A_314 = arith.constant 0 : i32
        %dma_start3A_315 = tpu.memref_slice %arg8[%dma_start3A_312, %dma_start3A_313, %dma_start3A_314] : memref<4x16x768xf32, #tpu.memory_space<vmem>> -> memref<1x16x768xf32, #tpu.memory_space<vmem>>
        %dma_start3A_316 = tpu.memref_squeeze %dma_start3A_315 : memref<1x16x768xf32, #tpu.memory_space<vmem>> -> memref<16x768xf32, #tpu.memory_space<vmem>>
        %dma_start3A_317 = tpu.memref_slice %arg6[%mul3A_311] : memref<10240xi32, #tpu.memory_space<vmem>> -> memref<16xi32, #tpu.memory_space<vmem>>
        %dma_start3A_318 = arith.constant 0 : i32
        %dma_start3A_319 = arith.constant 0 : i32
        %dma_start3A_320 = tpu.memref_slice %arg3[%dma_start3A_318, %dma_start3A_319] : memref<49408x768xf32, #tpu.memory_space<hbm>> -> memref<49408x768xf32, #tpu.memory_space<hbm>>
        tpu.enqueue_indirect_dma source(%dma_start3A_320 : memref<49408x768xf32, #tpu.memory_space<hbm>>) target(%dma_start3A_316 : memref<16x768xf32, #tpu.memory_space<vmem>>) offsets(%dma_start3A_317 : memref<16xi32, #tpu.memory_space<vmem>>) semaphore(%arg11 : memref<!tpu.dma_semaphore, #tpu.memory_space<semaphore_mem>>)
      } else {
      }
      %mul3A_105 = arith.constant 16 : i32
      %mul3A_106 = arith.muli %add3A_90, %mul3A_105 : i32
      %dma_wait3A_107 = arith.constant 0 : i32
      %dma_wait3A_108 = arith.constant 0 : i32
      %dma_wait3A_109 = arith.constant 0 : i32
      %dma_wait3A_110 = tpu.memref_slice %arg8[%dma_wait3A_107, %dma_wait3A_108, %dma_wait3A_109] : memref<4x16x768xf32, #tpu.memory_space<vmem>> -> memref<1x16x768xf32, #tpu.memory_space<vmem>>
      %dma_wait3A_111 = tpu.memref_squeeze %dma_wait3A_110 : memref<1x16x768xf32, #tpu.memory_space<vmem>> -> memref<16x768xf32, #tpu.memory_space<vmem>>
      %dma_wait3A_112 = tpu.memref_slice %arg6[%mul3A_106] : memref<10240xi32, #tpu.memory_space<vmem>> -> memref<16xi32, #tpu.memory_space<vmem>>
      %dma_wait3A_113 = arith.constant 0 : i32
      %dma_wait3A_114 = arith.constant 0 : i32
      %dma_wait3A_115 = tpu.memref_slice %arg3[%dma_wait3A_113, %dma_wait3A_114] : memref<49408x768xf32, #tpu.memory_space<hbm>> -> memref<49408x768xf32, #tpu.memory_space<hbm>>
      tpu.wait_indirect_dma semaphore(%arg9 : memref<!tpu.dma_semaphore, #tpu.memory_space<semaphore_mem>>) src(%dma_wait3A_115 : memref<49408x768xf32, #tpu.memory_space<hbm>>) dst(%dma_wait3A_111 : memref<16x768xf32, #tpu.memory_space<vmem>>)
      %rem3A = arith.constant 5 : i32
      %rem3A_116 = arith.remsi %add3A_90, %rem3A : i32
      %mul3A_117 = arith.constant 16 : i32
      %mul3A_118 = arith.muli %mul3A_117, %rem3A_116 : i32
      %parallel_loop3A = arith.constant 0 : i32
      %parallel_loop3A_119 = arith.constant 16 : i32
      %parallel_loop3A_120 = arith.constant 1 : i32
      scf.for %parallel_loop3A_308 = %parallel_loop3A to %parallel_loop3A_119 step %parallel_loop3A_120  : i32 {
        %parallel_loop3A_309 = arith.constant 0 : i32
        %parallel_loop3A_310 = arith.constant 48 : i32
        %parallel_loop3A_311 = arith.constant 1 : i32
        scf.for %parallel_loop3A_312 = %parallel_loop3A_309 to %parallel_loop3A_310 step %parallel_loop3A_311  : i32 {
          %parallel_loop3A_313 = arith.addi %mul3A_118, %parallel_loop3A_308 : i32
          %parallel_loop3A_314 = arith.constant 768 : i32
          %parallel_loop3A_315 = arith.muli %parallel_loop3A_313, %parallel_loop3A_314 : i32
          %parallel_loop3A_316 = arith.constant 16 : i32
          %parallel_loop3A_317 = arith.muli %parallel_loop3A_312, %parallel_loop3A_316 : i32
          %parallel_loop3A_318 = arith.addi %parallel_loop3A_315, %parallel_loop3A_317 : i32
          %parallel_loop3A_319 = arith.index_cast %parallel_loop3A_318 : i32 to index
          %parallel_loop3A_320 = tpu.vector_load %arg7[%parallel_loop3A_319] {strides = array<i32>} : memref<61440xf32, #tpu.memory_space<vmem>>, vector<16xf32>,
          %parallel_loop3A_321 = vector.shape_cast %parallel_loop3A_320 : vector<16xf32> to vector<16xf32>
          %parallel_loop3A_322 = arith.constant 16 : i32
          %parallel_loop3A_323 = arith.muli %parallel_loop3A_312, %parallel_loop3A_322 : i32
          %parallel_loop3A_324 = arith.constant 0 : i32
          %parallel_loop3A_325 = arith.index_cast %parallel_loop3A_324 : i32 to index
          %parallel_loop3A_326 = arith.index_cast %parallel_loop3A_308 : i32 to index
          %parallel_loop3A_327 = arith.index_cast %parallel_loop3A_323 : i32 to index
          %parallel_loop3A_328 = tpu.vector_load %arg8[%parallel_loop3A_325, %parallel_loop3A_326, %parallel_loop3A_327] {strides = array<i32>} : memref<4x16x768xf32, #tpu.memory_space<vmem>>, vector<1x1x16xf32>,
          %parallel_loop3A_329 = vector.shape_cast %parallel_loop3A_328 : vector<1x1x16xf32> to vector<16xf32>
          %parallel_loop3A_330 = vector.shape_cast %parallel_loop3A_321 : vector<16xf32> to vector<1x1x16xf32>
          tpu.vector_store %arg8[%parallel_loop3A_325, %parallel_loop3A_326, %parallel_loop3A_327], %parallel_loop3A_330 {add = true, strides = array<i32>} : memref<4x16x768xf32, #tpu.memory_space<vmem>>, vector<1x1x16xf32>,
        } {sc.loop_unroll_factor = 8 : i64, sc.parallel_access}
      } {sc.loop_unroll_factor = 1 : i64, sc.parallel_access}
      %mul3A_121 = arith.constant 16 : i32
      %mul3A_122 = arith.muli %add3A_90, %mul3A_121 : i32
      %add3A_123 = arith.addi %mul3A_2, %mul3A_122 : i32
      %dma_start3A_124 = arith.constant 0 : i32
      %dma_start3A_125 = arith.constant 0 : i32
      %dma_start3A_126 = arith.constant 0 : i32
      %dma_start3A_127 = tpu.memref_slice %arg8[%dma_start3A_124, %dma_start3A_125, %dma_start3A_126] : memref<4x16x768xf32, #tpu.memory_space<vmem>> -> memref<1x16x768xf32, #tpu.memory_space<vmem>>
      %dma_start3A_128 = tpu.memref_squeeze %dma_start3A_127 : memref<1x16x768xf32, #tpu.memory_space<vmem>> -> memref<16x768xf32, #tpu.memory_space<vmem>>
      %dma_start3A_129 = arith.constant 0 : i32
      %dma_start3A_130 = tpu.memref_slice %arg5[%add3A_123, %dma_start3A_129] : memref<327680x768xf32, #tpu.memory_space<hbm>> -> memref<16x768xf32, #tpu.memory_space<hbm>>
      %dma_start3A_131 = arith.constant 0 : i32
      %dma_start3A_132 = tpu.memref_slice %arg5[%add3A_123, %dma_start3A_131] : memref<327680x768xf32, #tpu.memory_space<hbm>> -> memref<16x768xf32, #tpu.memory_space<hbm>>
      %dma_start3A_133 = arith.constant 0 : i32
      %dma_start3A_134 = arith.constant 0 : i32
      %dma_start3A_135 = tpu.memref_slice %arg8[%dma_start3A_124, %dma_start3A_133, %dma_start3A_134] : memref<4x16x768xf32, #tpu.memory_space<vmem>> -> memref<1x16x768xf32, #tpu.memory_space<vmem>>
      %dma_start3A_136 = tpu.memref_squeeze %dma_start3A_135 : memref<1x16x768xf32, #tpu.memory_space<vmem>> -> memref<16x768xf32, #tpu.memory_space<vmem>>
      tpu.enqueue_dma source(%dma_start3A_136 : memref<16x768xf32, #tpu.memory_space<vmem>>) target(%dma_start3A_132 : memref<16x768xf32, #tpu.memory_space<hbm>>) target_semaphore(%arg13 : memref<!tpu.dma_semaphore, #tpu.memory_space<semaphore_mem>>)
      %mul3A_137 = arith.constant 4 : i32
      %mul3A_138 = arith.muli %scan3A_86, %mul3A_137 : i32
      %add3A_139 = arith.constant 1 : i32
      %add3A_140 = arith.addi %mul3A_138, %add3A_139 : i32
      %add3A_141 = arith.constant 2 : i32
      %add3A_142 = arith.addi %add3A_140, %add3A_141 : i32
      %lt3A_143 = arith.constant 640 : i32
      %lt3A_144 = arith.cmpi slt, %add3A_142, %lt3A_143 : i32
      %add3A_145 = arith.constant 2 : i32
      %add3A_146 = arith.addi %add3A_140, %add3A_145 : i32
      %ge3A_147 = arith.constant 4 : i32
      %ge3A_148 = arith.cmpi sge, %add3A_146, %ge3A_147 : i32
      %and3A_149 = arith.andi %lt3A_144, %ge3A_148 : i1
      %convert_element_type3A_150 = arith.extui %and3A_149 : i1 to i32
      %cond3A_151 = arith.constant 0 : i32
      %cond3A_152 = arith.cmpi ne, %convert_element_type3A_150, %cond3A_151 : i32
      scf.if %cond3A_152 {
        %add3A_308 = arith.constant 2 : i32
        %add3A_309 = arith.addi %add3A_140, %add3A_308 : i32
        %sub3A = arith.constant 4 : i32
        %sub3A_310 = arith.subi %add3A_309, %sub3A : i32
        %mul3A_311 = arith.constant 16 : i32
        %mul3A_312 = arith.muli %sub3A_310, %mul3A_311 : i32
        %add3A_313 = arith.addi %mul3A_2, %mul3A_312 : i32
        %dma_wait3A_314 = arith.constant 3 : i32
        %dma_wait3A_315 = arith.constant 0 : i32
        %dma_wait3A_316 = arith.constant 0 : i32
        %dma_wait3A_317 = tpu.memref_slice %arg8[%dma_wait3A_314, %dma_wait3A_315, %dma_wait3A_316] : memref<4x16x768xf32, #tpu.memory_space<vmem>> -> memref<1x16x768xf32, #tpu.memory_space<vmem>>
        %dma_wait3A_318 = tpu.memref_squeeze %dma_wait3A_317 : memref<1x16x768xf32, #tpu.memory_space<vmem>> -> memref<16x768xf32, #tpu.memory_space<vmem>>
        %dma_wait3A_319 = arith.constant 0 : i32
        %dma_wait3A_320 = tpu.memref_slice %arg5[%add3A_313, %dma_wait3A_319] : memref<327680x768xf32, #tpu.memory_space<hbm>> -> memref<16x768xf32, #tpu.memory_space<hbm>>
        %dma_wait3A_321 = arith.constant 0 : i32
        %dma_wait3A_322 = tpu.memref_slice %arg5[%add3A_313, %dma_wait3A_321] : memref<327680x768xf32, #tpu.memory_space<hbm>> -> memref<16x768xf32, #tpu.memory_space<hbm>>
        %dma_wait3A_323 = arith.constant 0 : i32
        %dma_wait3A_324 = arith.constant 0 : i32
        %dma_wait3A_325 = tpu.memref_slice %arg8[%dma_wait3A_314, %dma_wait3A_323, %dma_wait3A_324] : memref<4x16x768xf32, #tpu.memory_space<vmem>> -> memref<1x16x768xf32, #tpu.memory_space<vmem>>
        %dma_wait3A_326 = tpu.memref_squeeze %dma_wait3A_325 : memref<1x16x768xf32, #tpu.memory_space<vmem>> -> memref<16x768xf32, #tpu.memory_space<vmem>>
        tpu.wait_dma2 semaphore(%arg16 : memref<!tpu.dma_semaphore, #tpu.memory_space<semaphore_mem>>) src(%dma_wait3A_326 : memref<16x768xf32, #tpu.memory_space<vmem>>) dst(%dma_wait3A_322 : memref<16x768xf32, #tpu.memory_space<hbm>>)
      } else {
      }
      %add3A_153 = arith.constant 2 : i32
      %add3A_154 = arith.addi %add3A_140, %add3A_153 : i32
      %lt3A_155 = arith.constant 640 : i32
      %lt3A_156 = arith.cmpi slt, %add3A_154, %lt3A_155 : i32
      %convert_element_type3A_157 = arith.extui %lt3A_156 : i1 to i32
      %cond3A_158 = arith.constant 0 : i32
      %cond3A_159 = arith.cmpi ne, %convert_element_type3A_157, %cond3A_158 : i32
      scf.if %cond3A_159 {
        %add3A_308 = arith.constant 2 : i32
        %add3A_309 = arith.addi %add3A_140, %add3A_308 : i32
        %mul3A_310 = arith.constant 16 : i32
        %mul3A_311 = arith.muli %add3A_309, %mul3A_310 : i32
        %dma_start3A_312 = arith.constant 3 : i32
        %dma_start3A_313 = arith.constant 0 : i32
        %dma_start3A_314 = arith.constant 0 : i32
        %dma_start3A_315 = tpu.memref_slice %arg8[%dma_start3A_312, %dma_start3A_313, %dma_start3A_314] : memref<4x16x768xf32, #tpu.memory_space<vmem>> -> memref<1x16x768xf32, #tpu.memory_space<vmem>>
        %dma_start3A_316 = tpu.memref_squeeze %dma_start3A_315 : memref<1x16x768xf32, #tpu.memory_space<vmem>> -> memref<16x768xf32, #tpu.memory_space<vmem>>
        %dma_start3A_317 = tpu.memref_slice %arg6[%mul3A_311] : memref<10240xi32, #tpu.memory_space<vmem>> -> memref<16xi32, #tpu.memory_space<vmem>>
        %dma_start3A_318 = arith.constant 0 : i32
        %dma_start3A_319 = arith.constant 0 : i32
        %dma_start3A_320 = tpu.memref_slice %arg3[%dma_start3A_318, %dma_start3A_319] : memref<49408x768xf32, #tpu.memory_space<hbm>> -> memref<49408x768xf32, #tpu.memory_space<hbm>>
        tpu.enqueue_indirect_dma source(%dma_start3A_320 : memref<49408x768xf32, #tpu.memory_space<hbm>>) target(%dma_start3A_316 : memref<16x768xf32, #tpu.memory_space<vmem>>) offsets(%dma_start3A_317 : memref<16xi32, #tpu.memory_space<vmem>>) semaphore(%arg12 : memref<!tpu.dma_semaphore, #tpu.memory_space<semaphore_mem>>)
      } else {
      }
      %mul3A_160 = arith.constant 16 : i32
      %mul3A_161 = arith.muli %add3A_140, %mul3A_160 : i32
      %dma_wait3A_162 = arith.constant 1 : i32
      %dma_wait3A_163 = arith.constant 0 : i32
      %dma_wait3A_164 = arith.constant 0 : i32
      %dma_wait3A_165 = tpu.memref_slice %arg8[%dma_wait3A_162, %dma_wait3A_163, %dma_wait3A_164] : memref<4x16x768xf32, #tpu.memory_space<vmem>> -> memref<1x16x768xf32, #tpu.memory_space<vmem>>
      %dma_wait3A_166 = tpu.memref_squeeze %dma_wait3A_165 : memref<1x16x768xf32, #tpu.memory_space<vmem>> -> memref<16x768xf32, #tpu.memory_space<vmem>>
      %dma_wait3A_167 = tpu.memref_slice %arg6[%mul3A_161] : memref<10240xi32, #tpu.memory_space<vmem>> -> memref<16xi32, #tpu.memory_space<vmem>>
      %dma_wait3A_168 = arith.constant 0 : i32
      %dma_wait3A_169 = arith.constant 0 : i32
      %dma_wait3A_170 = tpu.memref_slice %arg3[%dma_wait3A_168, %dma_wait3A_169] : memref<49408x768xf32, #tpu.memory_space<hbm>> -> memref<49408x768xf32, #tpu.memory_space<hbm>>
      tpu.wait_indirect_dma semaphore(%arg10 : memref<!tpu.dma_semaphore, #tpu.memory_space<semaphore_mem>>) src(%dma_wait3A_170 : memref<49408x768xf32, #tpu.memory_space<hbm>>) dst(%dma_wait3A_166 : memref<16x768xf32, #tpu.memory_space<vmem>>)
      %rem3A_171 = arith.constant 5 : i32
      %rem3A_172 = arith.remsi %add3A_140, %rem3A_171 : i32
      %mul3A_173 = arith.constant 16 : i32
      %mul3A_174 = arith.muli %mul3A_173, %rem3A_172 : i32
      %parallel_loop3A_175 = arith.constant 0 : i32
      %parallel_loop3A_176 = arith.constant 16 : i32
      %parallel_loop3A_177 = arith.constant 1 : i32
      scf.for %parallel_loop3A_308 = %parallel_loop3A_175 to %parallel_loop3A_176 step %parallel_loop3A_177  : i32 {
        %parallel_loop3A_309 = arith.constant 0 : i32
        %parallel_loop3A_310 = arith.constant 48 : i32
        %parallel_loop3A_311 = arith.constant 1 : i32
        scf.for %parallel_loop3A_312 = %parallel_loop3A_309 to %parallel_loop3A_310 step %parallel_loop3A_311  : i32 {
          %parallel_loop3A_313 = arith.addi %mul3A_174, %parallel_loop3A_308 : i32
          %parallel_loop3A_314 = arith.constant 768 : i32
          %parallel_loop3A_315 = arith.muli %parallel_loop3A_313, %parallel_loop3A_314 : i32
          %parallel_loop3A_316 = arith.constant 16 : i32
          %parallel_loop3A_317 = arith.muli %parallel_loop3A_312, %parallel_loop3A_316 : i32
          %parallel_loop3A_318 = arith.addi %parallel_loop3A_315, %parallel_loop3A_317 : i32
          %parallel_loop3A_319 = arith.index_cast %parallel_loop3A_318 : i32 to index
          %parallel_loop3A_320 = tpu.vector_load %arg7[%parallel_loop3A_319] {strides = array<i32>} : memref<61440xf32, #tpu.memory_space<vmem>>, vector<16xf32>,
          %parallel_loop3A_321 = vector.shape_cast %parallel_loop3A_320 : vector<16xf32> to vector<16xf32>
          %parallel_loop3A_322 = arith.constant 16 : i32
          %parallel_loop3A_323 = arith.muli %parallel_loop3A_312, %parallel_loop3A_322 : i32
          %parallel_loop3A_324 = arith.constant 1 : i32
          %parallel_loop3A_325 = arith.index_cast %parallel_loop3A_324 : i32 to index
          %parallel_loop3A_326 = arith.index_cast %parallel_loop3A_308 : i32 to index
          %parallel_loop3A_327 = arith.index_cast %parallel_loop3A_323 : i32 to index
          %parallel_loop3A_328 = tpu.vector_load %arg8[%parallel_loop3A_325, %parallel_loop3A_326, %parallel_loop3A_327] {strides = array<i32>} : memref<4x16x768xf32, #tpu.memory_space<vmem>>, vector<1x1x16xf32>,
          %parallel_loop3A_329 = vector.shape_cast %parallel_loop3A_328 : vector<1x1x16xf32> to vector<16xf32>
          %parallel_loop3A_330 = vector.shape_cast %parallel_loop3A_321 : vector<16xf32> to vector<1x1x16xf32>
          tpu.vector_store %arg8[%parallel_loop3A_325, %parallel_loop3A_326, %parallel_loop3A_327], %parallel_loop3A_330 {add = true, strides = array<i32>} : memref<4x16x768xf32, #tpu.memory_space<vmem>>, vector<1x1x16xf32>,
        } {sc.loop_unroll_factor = 8 : i64, sc.parallel_access}
      } {sc.loop_unroll_factor = 1 : i64, sc.parallel_access}
      %mul3A_178 = arith.constant 16 : i32
      %mul3A_179 = arith.muli %add3A_140, %mul3A_178 : i32
      %add3A_180 = arith.addi %mul3A_2, %mul3A_179 : i32
      %dma_start3A_181 = arith.constant 1 : i32
      %dma_start3A_182 = arith.constant 0 : i32
      %dma_start3A_183 = arith.constant 0 : i32
      %dma_start3A_184 = tpu.memref_slice %arg8[%dma_start3A_181, %dma_start3A_182, %dma_start3A_183] : memref<4x16x768xf32, #tpu.memory_space<vmem>> -> memref<1x16x768xf32, #tpu.memory_space<vmem>>
      %dma_start3A_185 = tpu.memref_squeeze %dma_start3A_184 : memref<1x16x768xf32, #tpu.memory_space<vmem>> -> memref<16x768xf32, #tpu.memory_space<vmem>>
      %dma_start3A_186 = arith.constant 0 : i32
      %dma_start3A_187 = tpu.memref_slice %arg5[%add3A_180, %dma_start3A_186] : memref<327680x768xf32, #tpu.memory_space<hbm>> -> memref<16x768xf32, #tpu.memory_space<hbm>>
      %dma_start3A_188 = arith.constant 0 : i32
      %dma_start3A_189 = tpu.memref_slice %arg5[%add3A_180, %dma_start3A_188] : memref<327680x768xf32, #tpu.memory_space<hbm>> -> memref<16x768xf32, #tpu.memory_space<hbm>>
      %dma_start3A_190 = arith.constant 0 : i32
      %dma_start3A_191 = arith.constant 0 : i32
      %dma_start3A_192 = tpu.memref_slice %arg8[%dma_start3A_181, %dma_start3A_190, %dma_start3A_191] : memref<4x16x768xf32, #tpu.memory_space<vmem>> -> memref<1x16x768xf32, #tpu.memory_space<vmem>>
      %dma_start3A_193 = tpu.memref_squeeze %dma_start3A_192 : memref<1x16x768xf32, #tpu.memory_space<vmem>> -> memref<16x768xf32, #tpu.memory_space<vmem>>
      tpu.enqueue_dma source(%dma_start3A_193 : memref<16x768xf32, #tpu.memory_space<vmem>>) target(%dma_start3A_189 : memref<16x768xf32, #tpu.memory_space<hbm>>) target_semaphore(%arg14 : memref<!tpu.dma_semaphore, #tpu.memory_space<semaphore_mem>>)
      %mul3A_194 = arith.constant 4 : i32
      %mul3A_195 = arith.muli %scan3A_86, %mul3A_194 : i32
      %add3A_196 = arith.constant 2 : i32
      %add3A_197 = arith.addi %mul3A_195, %add3A_196 : i32
      %add3A_198 = arith.constant 2 : i32
      %add3A_199 = arith.addi %add3A_197, %add3A_198 : i32
      %lt3A_200 = arith.constant 640 : i32
      %lt3A_201 = arith.cmpi slt, %add3A_199, %lt3A_200 : i32
      %add3A_202 = arith.constant 2 : i32
      %add3A_203 = arith.addi %add3A_197, %add3A_202 : i32
      %ge3A_204 = arith.constant 4 : i32
      %ge3A_205 = arith.cmpi sge, %add3A_203, %ge3A_204 : i32
      %and3A_206 = arith.andi %lt3A_201, %ge3A_205 : i1
      %convert_element_type3A_207 = arith.extui %and3A_206 : i1 to i32
      %cond3A_208 = arith.constant 0 : i32
      %cond3A_209 = arith.cmpi ne, %convert_element_type3A_207, %cond3A_208 : i32
      scf.if %cond3A_209 {
        %add3A_308 = arith.constant 2 : i32
        %add3A_309 = arith.addi %add3A_197, %add3A_308 : i32
        %sub3A = arith.constant 4 : i32
        %sub3A_310 = arith.subi %add3A_309, %sub3A : i32
        %mul3A_311 = arith.constant 16 : i32
        %mul3A_312 = arith.muli %sub3A_310, %mul3A_311 : i32
        %add3A_313 = arith.addi %mul3A_2, %mul3A_312 : i32
        %dma_wait3A_314 = arith.constant 0 : i32
        %dma_wait3A_315 = arith.constant 0 : i32
        %dma_wait3A_316 = arith.constant 0 : i32
        %dma_wait3A_317 = tpu.memref_slice %arg8[%dma_wait3A_314, %dma_wait3A_315, %dma_wait3A_316] : memref<4x16x768xf32, #tpu.memory_space<vmem>> -> memref<1x16x768xf32, #tpu.memory_space<vmem>>
        %dma_wait3A_318 = tpu.memref_squeeze %dma_wait3A_317 : memref<1x16x768xf32, #tpu.memory_space<vmem>> -> memref<16x768xf32, #tpu.memory_space<vmem>>
        %dma_wait3A_319 = arith.constant 0 : i32
        %dma_wait3A_320 = tpu.memref_slice %arg5[%add3A_313, %dma_wait3A_319] : memref<327680x768xf32, #tpu.memory_space<hbm>> -> memref<16x768xf32, #tpu.memory_space<hbm>>
        %dma_wait3A_321 = arith.constant 0 : i32
        %dma_wait3A_322 = tpu.memref_slice %arg5[%add3A_313, %dma_wait3A_321] : memref<327680x768xf32, #tpu.memory_space<hbm>> -> memref<16x768xf32, #tpu.memory_space<hbm>>
        %dma_wait3A_323 = arith.constant 0 : i32
        %dma_wait3A_324 = arith.constant 0 : i32
        %dma_wait3A_325 = tpu.memref_slice %arg8[%dma_wait3A_314, %dma_wait3A_323, %dma_wait3A_324] : memref<4x16x768xf32, #tpu.memory_space<vmem>> -> memref<1x16x768xf32, #tpu.memory_space<vmem>>
        %dma_wait3A_326 = tpu.memref_squeeze %dma_wait3A_325 : memref<1x16x768xf32, #tpu.memory_space<vmem>> -> memref<16x768xf32, #tpu.memory_space<vmem>>
        tpu.wait_dma2 semaphore(%arg13 : memref<!tpu.dma_semaphore, #tpu.memory_space<semaphore_mem>>) src(%dma_wait3A_326 : memref<16x768xf32, #tpu.memory_space<vmem>>) dst(%dma_wait3A_322 : memref<16x768xf32, #tpu.memory_space<hbm>>)
      } else {
      }
      %add3A_210 = arith.constant 2 : i32
      %add3A_211 = arith.addi %add3A_197, %add3A_210 : i32
      %lt3A_212 = arith.constant 640 : i32
      %lt3A_213 = arith.cmpi slt, %add3A_211, %lt3A_212 : i32
      %convert_element_type3A_214 = arith.extui %lt3A_213 : i1 to i32
      %cond3A_215 = arith.constant 0 : i32
      %cond3A_216 = arith.cmpi ne, %convert_element_type3A_214, %cond3A_215 : i32
      scf.if %cond3A_216 {
        %add3A_308 = arith.constant 2 : i32
        %add3A_309 = arith.addi %add3A_197, %add3A_308 : i32
        %mul3A_310 = arith.constant 16 : i32
        %mul3A_311 = arith.muli %add3A_309, %mul3A_310 : i32
        %dma_start3A_312 = arith.constant 0 : i32
        %dma_start3A_313 = arith.constant 0 : i32
        %dma_start3A_314 = arith.constant 0 : i32
        %dma_start3A_315 = tpu.memref_slice %arg8[%dma_start3A_312, %dma_start3A_313, %dma_start3A_314] : memref<4x16x768xf32, #tpu.memory_space<vmem>> -> memref<1x16x768xf32, #tpu.memory_space<vmem>>
        %dma_start3A_316 = tpu.memref_squeeze %dma_start3A_315 : memref<1x16x768xf32, #tpu.memory_space<vmem>> -> memref<16x768xf32, #tpu.memory_space<vmem>>
        %dma_start3A_317 = tpu.memref_slice %arg6[%mul3A_311] : memref<10240xi32, #tpu.memory_space<vmem>> -> memref<16xi32, #tpu.memory_space<vmem>>
        %dma_start3A_318 = arith.constant 0 : i32
        %dma_start3A_319 = arith.constant 0 : i32
        %dma_start3A_320 = tpu.memref_slice %arg3[%dma_start3A_318, %dma_start3A_319] : memref<49408x768xf32, #tpu.memory_space<hbm>> -> memref<49408x768xf32, #tpu.memory_space<hbm>>
        tpu.enqueue_indirect_dma source(%dma_start3A_320 : memref<49408x768xf32, #tpu.memory_space<hbm>>) target(%dma_start3A_316 : memref<16x768xf32, #tpu.memory_space<vmem>>) offsets(%dma_start3A_317 : memref<16xi32, #tpu.memory_space<vmem>>) semaphore(%arg9 : memref<!tpu.dma_semaphore, #tpu.memory_space<semaphore_mem>>)
      } else {
      }
      %mul3A_217 = arith.constant 16 : i32
      %mul3A_218 = arith.muli %add3A_197, %mul3A_217 : i32
      %dma_wait3A_219 = arith.constant 2 : i32
      %dma_wait3A_220 = arith.constant 0 : i32
      %dma_wait3A_221 = arith.constant 0 : i32
      %dma_wait3A_222 = tpu.memref_slice %arg8[%dma_wait3A_219, %dma_wait3A_220, %dma_wait3A_221] : memref<4x16x768xf32, #tpu.memory_space<vmem>> -> memref<1x16x768xf32, #tpu.memory_space<vmem>>
      %dma_wait3A_223 = tpu.memref_squeeze %dma_wait3A_222 : memref<1x16x768xf32, #tpu.memory_space<vmem>> -> memref<16x768xf32, #tpu.memory_space<vmem>>
      %dma_wait3A_224 = tpu.memref_slice %arg6[%mul3A_218] : memref<10240xi32, #tpu.memory_space<vmem>> -> memref<16xi32, #tpu.memory_space<vmem>>
      %dma_wait3A_225 = arith.constant 0 : i32
      %dma_wait3A_226 = arith.constant 0 : i32
      %dma_wait3A_227 = tpu.memref_slice %arg3[%dma_wait3A_225, %dma_wait3A_226] : memref<49408x768xf32, #tpu.memory_space<hbm>> -> memref<49408x768xf32, #tpu.memory_space<hbm>>
      tpu.wait_indirect_dma semaphore(%arg11 : memref<!tpu.dma_semaphore, #tpu.memory_space<semaphore_mem>>) src(%dma_wait3A_227 : memref<49408x768xf32, #tpu.memory_space<hbm>>) dst(%dma_wait3A_223 : memref<16x768xf32, #tpu.memory_space<vmem>>)
      %rem3A_228 = arith.constant 5 : i32
      %rem3A_229 = arith.remsi %add3A_197, %rem3A_228 : i32
      %mul3A_230 = arith.constant 16 : i32
      %mul3A_231 = arith.muli %mul3A_230, %rem3A_229 : i32
      %parallel_loop3A_232 = arith.constant 0 : i32
      %parallel_loop3A_233 = arith.constant 16 : i32
      %parallel_loop3A_234 = arith.constant 1 : i32
      scf.for %parallel_loop3A_308 = %parallel_loop3A_232 to %parallel_loop3A_233 step %parallel_loop3A_234  : i32 {
        %parallel_loop3A_309 = arith.constant 0 : i32
        %parallel_loop3A_310 = arith.constant 48 : i32
        %parallel_loop3A_311 = arith.constant 1 : i32
        scf.for %parallel_loop3A_312 = %parallel_loop3A_309 to %parallel_loop3A_310 step %parallel_loop3A_311  : i32 {
          %parallel_loop3A_313 = arith.addi %mul3A_231, %parallel_loop3A_308 : i32
          %parallel_loop3A_314 = arith.constant 768 : i32
          %parallel_loop3A_315 = arith.muli %parallel_loop3A_313, %parallel_loop3A_314 : i32
          %parallel_loop3A_316 = arith.constant 16 : i32
          %parallel_loop3A_317 = arith.muli %parallel_loop3A_312, %parallel_loop3A_316 : i32
          %parallel_loop3A_318 = arith.addi %parallel_loop3A_315, %parallel_loop3A_317 : i32
          %parallel_loop3A_319 = arith.index_cast %parallel_loop3A_318 : i32 to index
          %parallel_loop3A_320 = tpu.vector_load %arg7[%parallel_loop3A_319] {strides = array<i32>} : memref<61440xf32, #tpu.memory_space<vmem>>, vector<16xf32>,
          %parallel_loop3A_321 = vector.shape_cast %parallel_loop3A_320 : vector<16xf32> to vector<16xf32>
          %parallel_loop3A_322 = arith.constant 16 : i32
          %parallel_loop3A_323 = arith.muli %parallel_loop3A_312, %parallel_loop3A_322 : i32
          %parallel_loop3A_324 = arith.constant 2 : i32
          %parallel_loop3A_325 = arith.index_cast %parallel_loop3A_324 : i32 to index
          %parallel_loop3A_326 = arith.index_cast %parallel_loop3A_308 : i32 to index
          %parallel_loop3A_327 = arith.index_cast %parallel_loop3A_323 : i32 to index
          %parallel_loop3A_328 = tpu.vector_load %arg8[%parallel_loop3A_325, %parallel_loop3A_326, %parallel_loop3A_327] {strides = array<i32>} : memref<4x16x768xf32, #tpu.memory_space<vmem>>, vector<1x1x16xf32>,
          %parallel_loop3A_329 = vector.shape_cast %parallel_loop3A_328 : vector<1x1x16xf32> to vector<16xf32>
          %parallel_loop3A_330 = vector.shape_cast %parallel_loop3A_321 : vector<16xf32> to vector<1x1x16xf32>
          tpu.vector_store %arg8[%parallel_loop3A_325, %parallel_loop3A_326, %parallel_loop3A_327], %parallel_loop3A_330 {add = true, strides = array<i32>} : memref<4x16x768xf32, #tpu.memory_space<vmem>>, vector<1x1x16xf32>,
        } {sc.loop_unroll_factor = 8 : i64, sc.parallel_access}
      } {sc.loop_unroll_factor = 1 : i64, sc.parallel_access}
      %mul3A_235 = arith.constant 16 : i32
      %mul3A_236 = arith.muli %add3A_197, %mul3A_235 : i32
      %add3A_237 = arith.addi %mul3A_2, %mul3A_236 : i32
      %dma_start3A_238 = arith.constant 2 : i32
      %dma_start3A_239 = arith.constant 0 : i32
      %dma_start3A_240 = arith.constant 0 : i32
      %dma_start3A_241 = tpu.memref_slice %arg8[%dma_start3A_238, %dma_start3A_239, %dma_start3A_240] : memref<4x16x768xf32, #tpu.memory_space<vmem>> -> memref<1x16x768xf32, #tpu.memory_space<vmem>>
      %dma_start3A_242 = tpu.memref_squeeze %dma_start3A_241 : memref<1x16x768xf32, #tpu.memory_space<vmem>> -> memref<16x768xf32, #tpu.memory_space<vmem>>
      %dma_start3A_243 = arith.constant 0 : i32
      %dma_start3A_244 = tpu.memref_slice %arg5[%add3A_237, %dma_start3A_243] : memref<327680x768xf32, #tpu.memory_space<hbm>> -> memref<16x768xf32, #tpu.memory_space<hbm>>
      %dma_start3A_245 = arith.constant 0 : i32
      %dma_start3A_246 = tpu.memref_slice %arg5[%add3A_237, %dma_start3A_245] : memref<327680x768xf32, #tpu.memory_space<hbm>> -> memref<16x768xf32, #tpu.memory_space<hbm>>
      %dma_start3A_247 = arith.constant 0 : i32
      %dma_start3A_248 = arith.constant 0 : i32
      %dma_start3A_249 = tpu.memref_slice %arg8[%dma_start3A_238, %dma_start3A_247, %dma_start3A_248] : memref<4x16x768xf32, #tpu.memory_space<vmem>> -> memref<1x16x768xf32, #tpu.memory_space<vmem>>
      %dma_start3A_250 = tpu.memref_squeeze %dma_start3A_249 : memref<1x16x768xf32, #tpu.memory_space<vmem>> -> memref<16x768xf32, #tpu.memory_space<vmem>>
      tpu.enqueue_dma source(%dma_start3A_250 : memref<16x768xf32, #tpu.memory_space<vmem>>) target(%dma_start3A_246 : memref<16x768xf32, #tpu.memory_space<hbm>>) target_semaphore(%arg15 : memref<!tpu.dma_semaphore, #tpu.memory_space<semaphore_mem>>)
      %mul3A_251 = arith.constant 4 : i32
      %mul3A_252 = arith.muli %scan3A_86, %mul3A_251 : i32
      %add3A_253 = arith.constant 3 : i32
      %add3A_254 = arith.addi %mul3A_252, %add3A_253 : i32
      %add3A_255 = arith.constant 2 : i32
      %add3A_256 = arith.addi %add3A_254, %add3A_255 : i32
      %lt3A_257 = arith.constant 640 : i32
      %lt3A_258 = arith.cmpi slt, %add3A_256, %lt3A_257 : i32
      %add3A_259 = arith.constant 2 : i32
      %add3A_260 = arith.addi %add3A_254, %add3A_259 : i32
      %ge3A_261 = arith.constant 4 : i32
      %ge3A_262 = arith.cmpi sge, %add3A_260, %ge3A_261 : i32
      %and3A_263 = arith.andi %lt3A_258, %ge3A_262 : i1
      %convert_element_type3A_264 = arith.extui %and3A_263 : i1 to i32
      %cond3A_265 = arith.constant 0 : i32
      %cond3A_266 = arith.cmpi ne, %convert_element_type3A_264, %cond3A_265 : i32
      scf.if %cond3A_266 {
        %add3A_308 = arith.constant 2 : i32
        %add3A_309 = arith.addi %add3A_254, %add3A_308 : i32
        %sub3A = arith.constant 4 : i32
        %sub3A_310 = arith.subi %add3A_309, %sub3A : i32
        %mul3A_311 = arith.constant 16 : i32
        %mul3A_312 = arith.muli %sub3A_310, %mul3A_311 : i32
        %add3A_313 = arith.addi %mul3A_2, %mul3A_312 : i32
        %dma_wait3A_314 = arith.constant 1 : i32
        %dma_wait3A_315 = arith.constant 0 : i32
        %dma_wait3A_316 = arith.constant 0 : i32
        %dma_wait3A_317 = tpu.memref_slice %arg8[%dma_wait3A_314, %dma_wait3A_315, %dma_wait3A_316] : memref<4x16x768xf32, #tpu.memory_space<vmem>> -> memref<1x16x768xf32, #tpu.memory_space<vmem>>
        %dma_wait3A_318 = tpu.memref_squeeze %dma_wait3A_317 : memref<1x16x768xf32, #tpu.memory_space<vmem>> -> memref<16x768xf32, #tpu.memory_space<vmem>>
        %dma_wait3A_319 = arith.constant 0 : i32
        %dma_wait3A_320 = tpu.memref_slice %arg5[%add3A_313, %dma_wait3A_319] : memref<327680x768xf32, #tpu.memory_space<hbm>> -> memref<16x768xf32, #tpu.memory_space<hbm>>
        %dma_wait3A_321 = arith.constant 0 : i32
        %dma_wait3A_322 = tpu.memref_slice %arg5[%add3A_313, %dma_wait3A_321] : memref<327680x768xf32, #tpu.memory_space<hbm>> -> memref<16x768xf32, #tpu.memory_space<hbm>>
        %dma_wait3A_323 = arith.constant 0 : i32
        %dma_wait3A_324 = arith.constant 0 : i32
        %dma_wait3A_325 = tpu.memref_slice %arg8[%dma_wait3A_314, %dma_wait3A_323, %dma_wait3A_324] : memref<4x16x768xf32, #tpu.memory_space<vmem>> -> memref<1x16x768xf32, #tpu.memory_space<vmem>>
        %dma_wait3A_326 = tpu.memref_squeeze %dma_wait3A_325 : memref<1x16x768xf32, #tpu.memory_space<vmem>> -> memref<16x768xf32, #tpu.memory_space<vmem>>
        tpu.wait_dma2 semaphore(%arg14 : memref<!tpu.dma_semaphore, #tpu.memory_space<semaphore_mem>>) src(%dma_wait3A_326 : memref<16x768xf32, #tpu.memory_space<vmem>>) dst(%dma_wait3A_322 : memref<16x768xf32, #tpu.memory_space<hbm>>)
      } else {
      }
      %add3A_267 = arith.constant 2 : i32
      %add3A_268 = arith.addi %add3A_254, %add3A_267 : i32
      %lt3A_269 = arith.constant 640 : i32
      %lt3A_270 = arith.cmpi slt, %add3A_268, %lt3A_269 : i32
      %convert_element_type3A_271 = arith.extui %lt3A_270 : i1 to i32
      %cond3A_272 = arith.constant 0 : i32
      %cond3A_273 = arith.cmpi ne, %convert_element_type3A_271, %cond3A_272 : i32
      scf.if %cond3A_273 {
        %add3A_308 = arith.constant 2 : i32
        %add3A_309 = arith.addi %add3A_254, %add3A_308 : i32
        %mul3A_310 = arith.constant 16 : i32
        %mul3A_311 = arith.muli %add3A_309, %mul3A_310 : i32
        %dma_start3A_312 = arith.constant 1 : i32
        %dma_start3A_313 = arith.constant 0 : i32
        %dma_start3A_314 = arith.constant 0 : i32
        %dma_start3A_315 = tpu.memref_slice %arg8[%dma_start3A_312, %dma_start3A_313, %dma_start3A_314] : memref<4x16x768xf32, #tpu.memory_space<vmem>> -> memref<1x16x768xf32, #tpu.memory_space<vmem>>
        %dma_start3A_316 = tpu.memref_squeeze %dma_start3A_315 : memref<1x16x768xf32, #tpu.memory_space<vmem>> -> memref<16x768xf32, #tpu.memory_space<vmem>>
        %dma_start3A_317 = tpu.memref_slice %arg6[%mul3A_311] : memref<10240xi32, #tpu.memory_space<vmem>> -> memref<16xi32, #tpu.memory_space<vmem>>
        %dma_start3A_318 = arith.constant 0 : i32
        %dma_start3A_319 = arith.constant 0 : i32
        %dma_start3A_320 = tpu.memref_slice %arg3[%dma_start3A_318, %dma_start3A_319] : memref<49408x768xf32, #tpu.memory_space<hbm>> -> memref<49408x768xf32, #tpu.memory_space<hbm>>
        tpu.enqueue_indirect_dma source(%dma_start3A_320 : memref<49408x768xf32, #tpu.memory_space<hbm>>) target(%dma_start3A_316 : memref<16x768xf32, #tpu.memory_space<vmem>>) offsets(%dma_start3A_317 : memref<16xi32, #tpu.memory_space<vmem>>) semaphore(%arg10 : memref<!tpu.dma_semaphore, #tpu.memory_space<semaphore_mem>>)
      } else {
      }
      %mul3A_274 = arith.constant 16 : i32
      %mul3A_275 = arith.muli %add3A_254, %mul3A_274 : i32
      %dma_wait3A_276 = arith.constant 3 : i32
      %dma_wait3A_277 = arith.constant 0 : i32
      %dma_wait3A_278 = arith.constant 0 : i32
      %dma_wait3A_279 = tpu.memref_slice %arg8[%dma_wait3A_276, %dma_wait3A_277, %dma_wait3A_278] : memref<4x16x768xf32, #tpu.memory_space<vmem>> -> memref<1x16x768xf32, #tpu.memory_space<vmem>>
      %dma_wait3A_280 = tpu.memref_squeeze %dma_wait3A_279 : memref<1x16x768xf32, #tpu.memory_space<vmem>> -> memref<16x768xf32, #tpu.memory_space<vmem>>
      %dma_wait3A_281 = tpu.memref_slice %arg6[%mul3A_275] : memref<10240xi32, #tpu.memory_space<vmem>> -> memref<16xi32, #tpu.memory_space<vmem>>
      %dma_wait3A_282 = arith.constant 0 : i32
      %dma_wait3A_283 = arith.constant 0 : i32
      %dma_wait3A_284 = tpu.memref_slice %arg3[%dma_wait3A_282, %dma_wait3A_283] : memref<49408x768xf32, #tpu.memory_space<hbm>> -> memref<49408x768xf32, #tpu.memory_space<hbm>>
      tpu.wait_indirect_dma semaphore(%arg12 : memref<!tpu.dma_semaphore, #tpu.memory_space<semaphore_mem>>) src(%dma_wait3A_284 : memref<49408x768xf32, #tpu.memory_space<hbm>>) dst(%dma_wait3A_280 : memref<16x768xf32, #tpu.memory_space<vmem>>)
      %rem3A_285 = arith.constant 5 : i32
      %rem3A_286 = arith.remsi %add3A_254, %rem3A_285 : i32
      %mul3A_287 = arith.constant 16 : i32
      %mul3A_288 = arith.muli %mul3A_287, %rem3A_286 : i32
      %parallel_loop3A_289 = arith.constant 0 : i32
      %parallel_loop3A_290 = arith.constant 16 : i32
      %parallel_loop3A_291 = arith.constant 1 : i32
      scf.for %parallel_loop3A_308 = %parallel_loop3A_289 to %parallel_loop3A_290 step %parallel_loop3A_291  : i32 {
        %parallel_loop3A_309 = arith.constant 0 : i32
        %parallel_loop3A_310 = arith.constant 48 : i32
        %parallel_loop3A_311 = arith.constant 1 : i32
        scf.for %parallel_loop3A_312 = %parallel_loop3A_309 to %parallel_loop3A_310 step %parallel_loop3A_311  : i32 {
          %parallel_loop3A_313 = arith.addi %mul3A_288, %parallel_loop3A_308 : i32
          %parallel_loop3A_314 = arith.constant 768 : i32
          %parallel_loop3A_315 = arith.muli %parallel_loop3A_313, %parallel_loop3A_314 : i32
          %parallel_loop3A_316 = arith.constant 16 : i32
          %parallel_loop3A_317 = arith.muli %parallel_loop3A_312, %parallel_loop3A_316 : i32
          %parallel_loop3A_318 = arith.addi %parallel_loop3A_315, %parallel_loop3A_317 : i32
          %parallel_loop3A_319 = arith.index_cast %parallel_loop3A_318 : i32 to index
          %parallel_loop3A_320 = tpu.vector_load %arg7[%parallel_loop3A_319] {strides = array<i32>} : memref<61440xf32, #tpu.memory_space<vmem>>, vector<16xf32>,
          %parallel_loop3A_321 = vector.shape_cast %parallel_loop3A_320 : vector<16xf32> to vector<16xf32>
          %parallel_loop3A_322 = arith.constant 16 : i32
          %parallel_loop3A_323 = arith.muli %parallel_loop3A_312, %parallel_loop3A_322 : i32
          %parallel_loop3A_324 = arith.constant 3 : i32
          %parallel_loop3A_325 = arith.index_cast %parallel_loop3A_324 : i32 to index
          %parallel_loop3A_326 = arith.index_cast %parallel_loop3A_308 : i32 to index
          %parallel_loop3A_327 = arith.index_cast %parallel_loop3A_323 : i32 to index
          %parallel_loop3A_328 = tpu.vector_load %arg8[%parallel_loop3A_325, %parallel_loop3A_326, %parallel_loop3A_327] {strides = array<i32>} : memref<4x16x768xf32, #tpu.memory_space<vmem>>, vector<1x1x16xf32>,
          %parallel_loop3A_329 = vector.shape_cast %parallel_loop3A_328 : vector<1x1x16xf32> to vector<16xf32>
          %parallel_loop3A_330 = vector.shape_cast %parallel_loop3A_321 : vector<16xf32> to vector<1x1x16xf32>
          tpu.vector_store %arg8[%parallel_loop3A_325, %parallel_loop3A_326, %parallel_loop3A_327], %parallel_loop3A_330 {add = true, strides = array<i32>} : memref<4x16x768xf32, #tpu.memory_space<vmem>>, vector<1x1x16xf32>,
        } {sc.loop_unroll_factor = 8 : i64, sc.parallel_access}
      } {sc.loop_unroll_factor = 1 : i64, sc.parallel_access}
      %mul3A_292 = arith.constant 16 : i32
      %mul3A_293 = arith.muli %add3A_254, %mul3A_292 : i32
      %add3A_294 = arith.addi %mul3A_2, %mul3A_293 : i32
      %dma_start3A_295 = arith.constant 3 : i32
      %dma_start3A_296 = arith.constant 0 : i32
      %dma_start3A_297 = arith.constant 0 : i32
      %dma_start3A_298 = tpu.memref_slice %arg8[%dma_start3A_295, %dma_start3A_296, %dma_start3A_297] : memref<4x16x768xf32, #tpu.memory_space<vmem>> -> memref<1x16x768xf32, #tpu.memory_space<vmem>>
      %dma_start3A_299 = tpu.memref_squeeze %dma_start3A_298 : memref<1x16x768xf32, #tpu.memory_space<vmem>> -> memref<16x768xf32, #tpu.memory_space<vmem>>
      %dma_start3A_300 = arith.constant 0 : i32
      %dma_start3A_301 = tpu.memref_slice %arg5[%add3A_294, %dma_start3A_300] : memref<327680x768xf32, #tpu.memory_space<hbm>> -> memref<16x768xf32, #tpu.memory_space<hbm>>
      %dma_start3A_302 = arith.constant 0 : i32
      %dma_start3A_303 = tpu.memref_slice %arg5[%add3A_294, %dma_start3A_302] : memref<327680x768xf32, #tpu.memory_space<hbm>> -> memref<16x768xf32, #tpu.memory_space<hbm>>
      %dma_start3A_304 = arith.constant 0 : i32
      %dma_start3A_305 = arith.constant 0 : i32
      %dma_start3A_306 = tpu.memref_slice %arg8[%dma_start3A_295, %dma_start3A_304, %dma_start3A_305] : memref<4x16x768xf32, #tpu.memory_space<vmem>> -> memref<1x16x768xf32, #tpu.memory_space<vmem>>
      %dma_start3A_307 = tpu.memref_squeeze %dma_start3A_306 : memref<1x16x768xf32, #tpu.memory_space<vmem>> -> memref<16x768xf32, #tpu.memory_space<vmem>>
      tpu.enqueue_dma source(%dma_start3A_307 : memref<16x768xf32, #tpu.memory_space<vmem>>) target(%dma_start3A_303 : memref<16x768xf32, #tpu.memory_space<hbm>>) target_semaphore(%arg16 : memref<!tpu.dma_semaphore, #tpu.memory_space<semaphore_mem>>)
    }
    %scan3A_26 = arith.constant 160 : i32
    %add3A_27 = arith.constant 10176 : i32
    %add3A_28 = arith.addi %mul3A_2, %add3A_27 : i32
    %dma_wait3A = arith.constant 0 : i32
    %dma_wait3A_29 = arith.constant 0 : i32
    %dma_wait3A_30 = arith.constant 0 : i32
    %dma_wait3A_31 = tpu.memref_slice %arg8[%dma_wait3A, %dma_wait3A_29, %dma_wait3A_30] : memref<4x16x768xf32, #tpu.memory_space<vmem>> -> memref<1x16x768xf32, #tpu.memory_space<vmem>>
    %dma_wait3A_32 = tpu.memref_squeeze %dma_wait3A_31 : memref<1x16x768xf32, #tpu.memory_space<vmem>> -> memref<16x768xf32, #tpu.memory_space<vmem>>
    %dma_wait3A_33 = arith.constant 0 : i32
    %dma_wait3A_34 = tpu.memref_slice %arg5[%add3A_28, %dma_wait3A_33] : memref<327680x768xf32, #tpu.memory_space<hbm>> -> memref<16x768xf32, #tpu.memory_space<hbm>>
    %dma_wait3A_35 = arith.constant 0 : i32
    %dma_wait3A_36 = tpu.memref_slice %arg5[%add3A_28, %dma_wait3A_35] : memref<327680x768xf32, #tpu.memory_space<hbm>> -> memref<16x768xf32, #tpu.memory_space<hbm>>
    %dma_wait3A_37 = arith.constant 0 : i32
    %dma_wait3A_38 = arith.constant 0 : i32
    %dma_wait3A_39 = tpu.memref_slice %arg8[%dma_wait3A, %dma_wait3A_37, %dma_wait3A_38] : memref<4x16x768xf32, #tpu.memory_space<vmem>> -> memref<1x16x768xf32, #tpu.memory_space<vmem>>
    %dma_wait3A_40 = tpu.memref_squeeze %dma_wait3A_39 : memref<1x16x768xf32, #tpu.memory_space<vmem>> -> memref<16x768xf32, #tpu.memory_space<vmem>>
    tpu.wait_dma2 semaphore(%arg13 : memref<!tpu.dma_semaphore, #tpu.memory_space<semaphore_mem>>) src(%dma_wait3A_40 : memref<16x768xf32, #tpu.memory_space<vmem>>) dst(%dma_wait3A_36 : memref<16x768xf32, #tpu.memory_space<hbm>>)
    %add3A_41 = arith.constant 10192 : i32
    %add3A_42 = arith.addi %mul3A_2, %add3A_41 : i32
    %dma_wait3A_43 = arith.constant 1 : i32
    %dma_wait3A_44 = arith.constant 0 : i32
    %dma_wait3A_45 = arith.constant 0 : i32
    %dma_wait3A_46 = tpu.memref_slice %arg8[%dma_wait3A_43, %dma_wait3A_44, %dma_wait3A_45] : memref<4x16x768xf32, #tpu.memory_space<vmem>> -> memref<1x16x768xf32, #tpu.memory_space<vmem>>
    %dma_wait3A_47 = tpu.memref_squeeze %dma_wait3A_46 : memref<1x16x768xf32, #tpu.memory_space<vmem>> -> memref<16x768xf32, #tpu.memory_space<vmem>>
    %dma_wait3A_48 = arith.constant 0 : i32
    %dma_wait3A_49 = tpu.memref_slice %arg5[%add3A_42, %dma_wait3A_48] : memref<327680x768xf32, #tpu.memory_space<hbm>> -> memref<16x768xf32, #tpu.memory_space<hbm>>
    %dma_wait3A_50 = arith.constant 0 : i32
    %dma_wait3A_51 = tpu.memref_slice %arg5[%add3A_42, %dma_wait3A_50] : memref<327680x768xf32, #tpu.memory_space<hbm>> -> memref<16x768xf32, #tpu.memory_space<hbm>>
    %dma_wait3A_52 = arith.constant 0 : i32
    %dma_wait3A_53 = arith.constant 0 : i32
    %dma_wait3A_54 = tpu.memref_slice %arg8[%dma_wait3A_43, %dma_wait3A_52, %dma_wait3A_53] : memref<4x16x768xf32, #tpu.memory_space<vmem>> -> memref<1x16x768xf32, #tpu.memory_space<vmem>>
    %dma_wait3A_55 = tpu.memref_squeeze %dma_wait3A_54 : memref<1x16x768xf32, #tpu.memory_space<vmem>> -> memref<16x768xf32, #tpu.memory_space<vmem>>
    tpu.wait_dma2 semaphore(%arg14 : memref<!tpu.dma_semaphore, #tpu.memory_space<semaphore_mem>>) src(%dma_wait3A_55 : memref<16x768xf32, #tpu.memory_space<vmem>>) dst(%dma_wait3A_51 : memref<16x768xf32, #tpu.memory_space<hbm>>)
    %add3A_56 = arith.constant 10208 : i32
    %add3A_57 = arith.addi %mul3A_2, %add3A_56 : i32
    %dma_wait3A_58 = arith.constant 2 : i32
    %dma_wait3A_59 = arith.constant 0 : i32
    %dma_wait3A_60 = arith.constant 0 : i32
    %dma_wait3A_61 = tpu.memref_slice %arg8[%dma_wait3A_58, %dma_wait3A_59, %dma_wait3A_60] : memref<4x16x768xf32, #tpu.memory_space<vmem>> -> memref<1x16x768xf32, #tpu.memory_space<vmem>>
    %dma_wait3A_62 = tpu.memref_squeeze %dma_wait3A_61 : memref<1x16x768xf32, #tpu.memory_space<vmem>> -> memref<16x768xf32, #tpu.memory_space<vmem>>
    %dma_wait3A_63 = arith.constant 0 : i32
    %dma_wait3A_64 = tpu.memref_slice %arg5[%add3A_57, %dma_wait3A_63] : memref<327680x768xf32, #tpu.memory_space<hbm>> -> memref<16x768xf32, #tpu.memory_space<hbm>>
    %dma_wait3A_65 = arith.constant 0 : i32
    %dma_wait3A_66 = tpu.memref_slice %arg5[%add3A_57, %dma_wait3A_65] : memref<327680x768xf32, #tpu.memory_space<hbm>> -> memref<16x768xf32, #tpu.memory_space<hbm>>
    %dma_wait3A_67 = arith.constant 0 : i32
    %dma_wait3A_68 = arith.constant 0 : i32
    %dma_wait3A_69 = tpu.memref_slice %arg8[%dma_wait3A_58, %dma_wait3A_67, %dma_wait3A_68] : memref<4x16x768xf32, #tpu.memory_space<vmem>> -> memref<1x16x768xf32, #tpu.memory_space<vmem>>
    %dma_wait3A_70 = tpu.memref_squeeze %dma_wait3A_69 : memref<1x16x768xf32, #tpu.memory_space<vmem>> -> memref<16x768xf32, #tpu.memory_space<vmem>>
    tpu.wait_dma2 semaphore(%arg15 : memref<!tpu.dma_semaphore, #tpu.memory_space<semaphore_mem>>) src(%dma_wait3A_70 : memref<16x768xf32, #tpu.memory_space<vmem>>) dst(%dma_wait3A_66 : memref<16x768xf32, #tpu.memory_space<hbm>>)
    %add3A_71 = arith.constant 10224 : i32
    %add3A_72 = arith.addi %mul3A_2, %add3A_71 : i32
    %dma_wait3A_73 = arith.constant 3 : i32
    %dma_wait3A_74 = arith.constant 0 : i32
    %dma_wait3A_75 = arith.constant 0 : i32
    %dma_wait3A_76 = tpu.memref_slice %arg8[%dma_wait3A_73, %dma_wait3A_74, %dma_wait3A_75] : memref<4x16x768xf32, #tpu.memory_space<vmem>> -> memref<1x16x768xf32, #tpu.memory_space<vmem>>
    %dma_wait3A_77 = tpu.memref_squeeze %dma_wait3A_76 : memref<1x16x768xf32, #tpu.memory_space<vmem>> -> memref<16x768xf32, #tpu.memory_space<vmem>>
    %dma_wait3A_78 = arith.constant 0 : i32
    %dma_wait3A_79 = tpu.memref_slice %arg5[%add3A_72, %dma_wait3A_78] : memref<327680x768xf32, #tpu.memory_space<hbm>> -> memref<16x768xf32, #tpu.memory_space<hbm>>
    %dma_wait3A_80 = arith.constant 0 : i32
    %dma_wait3A_81 = tpu.memref_slice %arg5[%add3A_72, %dma_wait3A_80] : memref<327680x768xf32, #tpu.memory_space<hbm>> -> memref<16x768xf32, #tpu.memory_space<hbm>>
    %dma_wait3A_82 = arith.constant 0 : i32
    %dma_wait3A_83 = arith.constant 0 : i32
    %dma_wait3A_84 = tpu.memref_slice %arg8[%dma_wait3A_73, %dma_wait3A_82, %dma_wait3A_83] : memref<4x16x768xf32, #tpu.memory_space<vmem>> -> memref<1x16x768xf32, #tpu.memory_space<vmem>>
    %dma_wait3A_85 = tpu.memref_squeeze %dma_wait3A_84 : memref<1x16x768xf32, #tpu.memory_space<vmem>> -> memref<16x768xf32, #tpu.memory_space<vmem>>
    tpu.wait_dma2 semaphore(%arg16 : memref<!tpu.dma_semaphore, #tpu.memory_space<semaphore_mem>>) src(%dma_wait3A_85 : memref<16x768xf32, #tpu.memory_space<vmem>>) dst(%dma_wait3A_81 : memref<16x768xf32, #tpu.memory_space<hbm>>)
    return
  }
}

</mosaic_0001>

<sc_bundles>
// kernel: kernel.3.cloned.1.call-start
scs
__scs_entry_jumppad:
0x0: {  	(pc) =	sbr.rel $0x88, $3  }
0x1: {  	(tag) =	ssettag $0x0;
	lr =	simm.s32 $0x1  }
0x2: {  	[smem:$0x3F9E] =	sst lr;
	_ =	strace $0xD0000000  }
0x3: {  	_ = 	snop  }
0x4: {  	_ = 	snop  }
0x5: {  	_ = 	snop  }
0x6: {  	_ = 	snop  }
0x7: {  	_ = 	snop  }
__scs_overlays_trampoline_lowered:
0x8: {  	[smem:$0x3FAD] =	sst s0  }
0x9: {  	[smem:$0x3FAE] =	sst s1  }
0xa: {  	[smem:$0x3FAF] =	sst s2  }
0xb: {  	[smem:$0x3FB0] =	sst s3  }
0xc: {  	[smem:$0x3FB1] =	sst s4  }
0xd: {  	[smem:$0x3FB2] =	sst s5  }
0xe: {  	[smem:$0x3FB3] =	sst s6  }
0xf: {  	[smem:$0x3FB4] =	sst s7  }
0x10: {  	[smem:$0x3FB5] =	sst s8  }
0x11: {  	[smem:$0x3FB6] =	sst s9;
	s0 =	simm.s32 @!p0 $0x0  }
0x12: {  	s1 =	sld [smem:$0x3F9C];
	s0 =	simm.s32 @p0 $0x1  }
0x13: {  	[smem:$0x3FB7] =	sst s0;
	s0 =	simm.s32 @!p1 $0x0  }
0x14: {  	s2 =	sld [smem:$0x3F9B];
	s0 =	simm.s32 @p1 $0x1  }
0x15: {  	[smem:$0x3FB8] =	sst s0;
	s0 =	simm.s32 @!p2 $0x0  }
0x16: {  	s3 =	sld [smem:$0x3FDB];
	s0 =	simm.s32 @p2 $0x1  }
0x17: {  	s4 =	simm.s32 $0x1BF5;
	[smem:$0x3FBA] =	sst s0  }
0x18: {  	s0 =	sld [smem:$0x3F9D];
	_ =	swait.ge [sflag:s4], $0x0  }
0x19: {  	s7 =	sld [smem:$0x3F9E]  }
0x1a: {  	s8 =	sadd.s32 $0xFFFFE003, lr  }
0x1b: {  	s9 =	sadd.s32 $0xFFFFFEF7, lr;
	s5 =	simm.s32 $0xFFFFFFFF;
	p2 =	slt.u32 s8, $0xFFFFF086  }
0x1c: {  	p1 =	slt.u32 s9, $0xF7A;
	s5 =	simm.s32 @!p2 $0x0  }
0x1d: {  	s5 =	simm.s32 @p1 $0x1;
	p0 =	seq.s32 s7, s2  }
0x1e: {  	s7 =	smul.u32 @!p0 $0xF7A, s2;
	p2 =	seq.s32 @!p0 s5, $0x0  }
0x1f: {  	s9 =	smul.u32 $0xF7A, s1;
	s8 =	simm.s32 @!p0 $0x1BF5;
	p2 =	por !p2, p0  }
0x20: {  	[sflag:s8] =	ssyncset.s32 @!p0 $0xFFFFF086;
	s6 =	sadd.s32 @!p0 s3, s7;
	s7 =	simm.s32 @!p0 $0x108  }
0x21: {  	s3 =	sadd.s32 s3, s9;
	s6 =	sadd.s32 @!p0 $0x88, s6;
	s7 =	simm.s32 @p2 $0x1082  }
0x22: {  	[simem:s7], [sflag:s8] =	dma.local @!p0 [hbm:s6], $0xF7A  }
0x23: {  	s9 =	sor.u32 $0xD0000000, s2;
	s6 =	simm.s32 $0x108;
	_ =	swait.ge @!p0 [sflag:s8], $0x0  }
0x24: {  	s3 =	sadd.s32 $0x88, s3;
	s6 =	simm.s32 @!p1 $0x1082;
	[sflag:s4] =	ssyncset.s32 $0xFFFFF086  }
0x25: {  	[simem:s6], [sflag:s4] =	dma.local [hbm:s3], $0xF7A  }
0x26: {  	[smem:$0x3F9E] =	sst s1;
	(tag) =	ssettag s2;
	_ =	strace s9  }
0x27: {  	s1 =	sld [smem:$0x3FAE]  }
0x28: {  	s2 =	sld [smem:$0x3FAF]  }
0x29: {  	s4 =	sld [smem:$0x3FB1]  }
0x2a: {  	p0 =	seq.s32 s5, $0x0;
	s5 =	sld [smem:$0x3FB2]  }
0x2b: {  	s6 =	sld [smem:$0x3FB3]  }
0x2c: {  	s7 =	sld [smem:$0x3FB4]  }
0x2d: {  	s3 =	simm.s32 $0x108;
	s8 =	sld [smem:$0x3FB5]  }
0x2e: {  	s3 =	simm.s32 @!p0 $0x1082;
	s9 =	sld [smem:$0x3FB6]  }
0x2f: {  	lr =	sadd.s32 s0, s3;
	s0 =	sld [smem:$0x3FAD]  }
0x30: {  	s3 =	sld [smem:$0x3FB0]  }
0x31: {  	[smem:$0x3FB9] =	sst s10  }
0x32: {  	s10 =	sld [smem:$0x3FB7];
	_ =	sdelay $0x3  }
0x33: {  	p0 =	seq.s32 s10, $0x1;
	s10 =	sld [smem:$0x3FB9];
	_ =	sdelay $0x3  }
0x34: {  	[smem:$0x3FB9] =	sst s10  }
0x35: {  	s10 =	sld [smem:$0x3FB8];
	_ =	sdelay $0x3  }
0x36: {  	p1 =	seq.s32 s10, $0x1;
	s10 =	sld [smem:$0x3FB9];
	_ =	sdelay $0x3  }
0x37: {  	[smem:$0x3FB9] =	sst s10  }
0x38: {  	s10 =	sld [smem:$0x3FBA]  }
0x39: {  	_ = 	snop;
	(pc) =	sbr.ind lr, $3  }
0x3a: {  	_ = 	snop  }
0x3b: {  	_ = 	snop  }
0x3c: {  	p2 =	seq.s32 s10, $0x1;
	s10 =	sld [smem:$0x3FB9]  }
0x3d: {  	_ =	shalt  }
0x3e: {  	_ =	shalt  }
0x3f: {  	_ =	shalt  }
0x40: {  	_ =	shalt  }
0x41: {  	_ =	shalt  }
0x42: {  	_ =	shalt  }
0x43: {  	_ =	shalt  }
0x44: {  	_ =	shalt  }
0x45: {  	_ =	shalt  }
0x46: {  	_ =	shalt  }
0x47: {  	_ =	shalt  }
0x48: {  	_ =	shalt  }
0x49: {  	_ =	shalt  }
0x4a: {  	_ =	shalt  }
0x4b: {  	_ =	shalt  }
0x4c: {  	_ =	shalt  }
0x4d: {  	_ =	shalt  }
0x4e: {  	_ =	shalt  }
0x4f: {  	_ =	shalt  }
0x50: {  	_ =	shalt  }
0x51: {  	_ =	shalt  }
0x52: {  	_ =	shalt  }
0x53: {  	_ =	shalt  }
0x54: {  	_ =	shalt  }
0x55: {  	_ =	shalt  }
0x56: {  	_ =	shalt  }
0x57: {  	_ =	shalt  }
0x58: {  	_ =	shalt  }
0x59: {  	_ =	shalt  }
0x5a: {  	_ =	shalt  }
0x5b: {  	_ =	shalt  }
0x5c: {  	_ =	shalt  }
0x5d: {  	_ =	shalt  }
0x5e: {  	_ =	shalt  }
0x5f: {  	_ =	shalt  }
0x60: {  	_ =	shalt  }
0x61: {  	_ =	shalt  }
0x62: {  	_ =	shalt  }
0x63: {  	_ =	shalt  }
0x64: {  	_ =	shalt  }
0x65: {  	_ =	shalt  }
0x66: {  	_ =	shalt  }
0x67: {  	_ =	shalt  }
0x68: {  	_ =	shalt  }
0x69: {  	_ =	shalt  }
0x6a: {  	_ =	shalt  }
0x6b: {  	_ =	shalt  }
0x6c: {  	_ =	shalt  }
0x6d: {  	_ =	shalt  }
0x6e: {  	_ =	shalt  }
0x6f: {  	_ =	shalt  }
0x70: {  	_ =	shalt  }
0x71: {  	_ =	shalt  }
0x72: {  	_ =	shalt  }
0x73: {  	_ =	shalt  }
0x74: {  	_ =	shalt  }
0x75: {  	_ =	shalt  }
0x76: {  	_ =	shalt  }
0x77: {  	_ =	shalt  }
0x78: {  	_ =	shalt  }
0x79: {  	_ =	shalt  }
0x7a: {  	_ =	shalt  }
0x7b: {  	_ =	shalt  }
0x7c: {  	_ =	shalt  }
0x7d: {  	_ =	shalt  }
0x7e: {  	_ =	shalt  }
0x7f: {  	_ =	shalt  }
0x80: {  	_ =	shalt  }
0x81: {  	_ =	shalt  }
0x82: {  	_ =	shalt  }
0x83: {  	_ =	shalt  }
0x84: {  	_ =	shalt  }
0x85: {  	_ =	shalt  }
0x86: {  	_ =	shalt  }
0x87: {  	_ =	shalt  }
.Lfunc_end0:
.L_simem_size_0:
called_computation.1_lowered:
.L_overlay_start_0:
0x88: {  	s2 =	sld [smem:$0x3FD9]  }
0x89: {  	s3 =	sld [smem:$0x3FFE];
	_ =	sdelay $0x1  }
0x8a: {  	s1 =	srdreg.scid  }
0x8b: {  	s0 =	sand.u32 $0x1, s1  }
0x8c: {  	s17 =	sshll.u32 s0, $0xA;
	s2 =	sadd.s32 s3, s2  }
0x8d: {  	s2 =	sadd.s32 s2, s17  }
0x8e: {  	[smem:$0x3FC5] =	sst s2  }
0x8f: {  	_ = 	snop  }
0x90: {  	s2 =	sld [smem:$0x3FC8]  }
0x91: {  	s18 =	sld [smem:$0x3FD0];
	(tm) =	ssettm $0x1  }
0x92: {  	s4 =	sld [smem:$0x3FFB];
	_ =	sdelay $0x3  }
0x93: {  	_ =	strace s4  }
0x94: {  	s4 =	sld [smem:$0x3FFC];
	_ =	sdelay $0x3  }
0x95: {  	_ =	strace s4  }
0x96: {  	s4 =	sld [smem:$0x3FFD];
	_ =	sdelay $0x3  }
0x97: {  	_ =	strace s4  }
0x98: {  	_ =	strace $0x8FFFFFFF  }
0x99: {  	s19 =	sld [smem:$0x3FDB];
	_ =	sdelay $0x1  }
0x9a: {  	s5 =	simm.s32 $_scs_section_size  }
0x9b: {  	s6 =	simm.s32 $_size__tile_overlayer_lowered;
	s7 =	simm.s32 $_tile_overlayer_lowered  }
0x9c: {  	s22 =	simm.s32 $0x1BFF;
	s21 =	sshll.u32 s7, $0x1;
	s4 =	sadd.s32 s5, s19  }
0x9d: {  	s8 =	simm.s32 $0x0;
	s20 =	sshll.u32 s6, $0x1;
	s6 =	sadd.s32 s21, s4  }
0x9e: {  	[timem:s8], [sflag:s22] =	dma.local [hbm:s6], s20  }
0x9f: {  	_ =	swait.ge [sflag:s22], s20  }
0xa0: {  	s5 =	ssub.s32 $0x0, s20;
	[sflag:s22] =	ssyncset.done $0x0  }
0xa1: {  	[sflag:s22] =	ssyncadd.s32 s5;
	_ =	sdelay $0x1  }
0xa2: {  	s23 =	simm.s32 $0x1B8B  }
0xa3: {  	_ =	swait.ge [sflag:s23], $0x1  }
0xa4: {  	[sflag:s23] =	ssyncset.done $0x0  }
0xa5: {  	s25 =	simm.s32 $0x1B8E;
	s24 =	sld [smem:$0x3FFE];
	[sflag:s23] =	ssyncadd.s32 $0xFFFFFFFF  }
0xa6: {  	s26 =	simm.s32 $execute0_lowered;
	[smem:$0x3FD2] =	sst s25  }
0xa7: {  	s6 =	sshll.u32 s26, $0x1;
	_ =	strace $0x80000046;
	[dreg:$0x1] =	wrdreg $0xFFFFFFFF  }
0xa8: {  	s28 =	simm.s32 $_size_execute0_lowered;
	s4 =	sadd.s32 s4, s6;
	[dreg:$0x0] =	wrdreg $0x0  }
0xa9: {  	s6 =	sshll.u32 s28, $0x1;
	[dreg:$0x2] =	wrdreg s4  }
0xaa: {  	[dreg:$0x3] =	wrdreg s6  }
0xab: {  	[dreg:$0x4] =	wrdreg $0xC0  }
0xac: {  	_ =	task [dreg:s8], $0x5FFFF  }
0xad: {  	[dreg:$0x1] =	wrdreg $0xFFFFFFFF  }
0xae: {  	[dreg:$0x0] =	wrdreg $0x60  }
0xaf: {  	[dreg:$0x2] =	wrdreg s18  }
0xb0: {  	[dreg:$0x3] =	wrdreg s2  }
0xb1: {  	[dreg:$0x4] =	wrdreg s24  }
0xb2: {  	[dreg:$0x5] =	wrdreg $0x9  }
0xb3: {  	_ =	task.clear_ibuf [dreg:s8], $0x6FFFF;
	_ =	strace $0x90000046  }
0xb4: {  	s29 =	simm.s32 $0x9;
	_ =	strace $0x80000048  }
0xb5: {  	_ =	swait.ge [sflag:s29], $0x1  }
0xb6: {  	[sflag:s29] =	ssyncadd.s32 $0xFFFFFFFF  }
0xb7: {  	_ =	strace $0x90000048  }
0xb8: {  	_ =	sfence  }
0xb9: {  	s30 =	sld [smem:$0x0];
	_ =	sdelay $0x2  }
0xba: {  	s31 =	sshll.u32 s1, $0xD;
	s1 =	sshrl.u32 s1, $0x2  }
0xbb: {  	s3 =	sand.u32 $0x4000, s31;
	s1 =	sadd.s32 s1, s30  }
0xbc: {  	s0 =	sor.u32 s3, s0;
	s1 =	sshll.u32 s1, $0x11  }
0xbd: {  	s0 =	sor.u32 s1, s0  }
0xbe: {  	s0 =	sadd.s32 $0x8F2B, s0  }
0xbf: {  	[sflag:s0] =	ssyncadd.remote.s32 $0x1  }
0xc0: {  	_ =	sfence.sel $0xFFFF  }
0xc1: {  	[dreg:$0x0] =	wrdreg $0xFFFFFFFF;
	(pc) =	sbr.abs _section_cstart, $3  }
0xc2: {  	[dreg:$0x1] =	wrdreg $0xFFFFFFFF  }
0xc3: {  	_ =	task.clear_ibuf [dreg:s8], $0x2FFFF;
	_ =	strace $0x9FFFFFFF  }
0xc4: {  	(tm) =	ssettm $0x7FFFFFFF  }
0xc5: {  	_ =	shalt  }
tec
execute0_lowered:
.L_overlay_start_1:
0x0: {  	(tag) =	ssettag $0x1  }
0x1: {  	s0 =	rddreg [dreg:$0x0]  }
0x2: {  	s2 =	rddreg [dreg:$0x1];
	s1 =	srdreg.scid  }
0x3: {  	s3 =	stileid.u32;
	s5 =	rddreg [dreg:$0x2]  }
0x4: {  	s17 =	simm.s32 $0x17800;
	s18 =	simm.s32 $0x2;
	s20 =	simm.s32 $0x3  }
0x5: {  	s21 =	simm.s32 $0x4;
	s10 =	simm.s32 $0x0;
	s1 =	sand.u32 $0x1, s1  }
0x6: {  	s4 =	sshll.u32 s3, $0x1;
	s3 =	simm.s32 $0x0;
	s6 =	sadd.s32 $0x800, s5  }
0x7: {  	s8 =	sadd.s32 $0x100, s2;
	s4 =	sor.u32 s1, s4;
	s1 =	ssub.s32 $0x2, s1  }
0x8: {  	[smem:$0x7FF] =	sst s3;
	s4 =	smul.u32 $0x2800, s4;
	s7 =	sshrl.u32 s1, $0x1  }
0x9: {  	s9 =	sadd.s32 $0x200, s2;
	_ =	strace $0x80000047;
	s1 =	ssub.s32 s1, s7  }
0xa: {  	v2 =	vlaneseq.u32;
	[dreg:$0x4] =	wrdreg s6;
	s30 =	sshrl.u32 s4, $0x3;
	s31 =	smax.u32 s1, $0x1  }
0xb: {  	vm0 =	vmmov $0xffff;
	v1 =	vshrl.u32 v2, $0x3;
	s6 =	sadd.s32 $0x2600, s5;
	s0 =	sadd.s32 s0, s30;
	[dreg:$0x6] =	wrdreg s31  }
0xc: {  	v0 =	vand.u32 $0x7, v2;
	v2 =	vor.u32 $0x8, v2;
	v1 =	vmul.u32 $0x8, v1;
	s1 =	simm.s32 $0x1;
	[dreg:$0x5] =	wrdreg s0;
	s0 =	simm.s32 $0x1A800  }
.LBB2_1:
0xd: {  	[dreg:$0x7] =	wrdreg s10  }
0xe: {  	s5 =	rddreg [dreg:$0x4];
	s7 =	simm.s32 $0x2800;
	s12 =	simm.s32 $0x9  }
0xf: {  	[tilespmem:s7], [sflag:$0x9] =	stream.linear.gather [hbm4b:s5+s3], $0xF000, $0x38;
	[tilespmem:$0x1D800] =	vst v63  }
0x10: {  	_ =	swait.ge [sflag:s12], $0xF000  }
0x11: {  	[sflag:s12] =	ssyncset.done $0x0  }
0x12: {  	s13 =	rddreg [dreg:$0x5];
	[sflag:s12] =	ssyncadd.s32 $0xFFFF1000  }
0x13: {  	[tilespmem:s3], [sflag:$0x9] =	stream.linear.gather [hbm4b:s13+s3], $0x2800, $0x38;
	[tilespmem:$0x1D800] =	vst v63  }
0x14: {  	_ =	swait.ge [sflag:s12], $0x2800  }
0x15: {  	[sflag:s12] =	ssyncset.done $0x0  }
0x16: {  	[sflag:s12] =	ssyncadd.s32 $0xFFFFD800  }
0x17: {  	v3 =	vld [tilespmem:$0x0];
	_ =	sdelay $0x4  }
0x18: {  	v4 =	vshrl.u32 v3, $0x3  }
0x19: {  	v4 =	vmul.u32 $0x30, v4  }
0x1a: {  	v3 =	vand.u32 $0x7, v3  }
0x1b: {  	v3 =	vor.u32 v3, v4  }
0x1c: {  	v4 =	vperm.xlane v3, v0;
	_ =	sdelay $0x1  }
0x1d: {  	v4 =	vadd.s32 v1, v4;
	_ =	sdelay $0x3  }
0x1e: {  	s14 =	simm.s32 $0x11800;
	v3 =	vperm.xlane v3, v2  }
0x1f: {  	[tilespmem:s14], [sflag:$0x1] =	stream.indirect_vreg.gather [hbm4b:s2+s3], $0x80, v4, vm0, $0xb8;
	[tilespmem:$0x1D800] =	vst v63  }
0x20: {  	s15 =	simm.s32 $0x12000;
	v3 =	vadd.s32 v1, v3  }
0x21: {  	[tilespmem:s15], [sflag:$0x1] =	stream.indirect_vreg.gather [hbm4b:s8+s3], $0x80, v4, vm0, $0xb8;
	[tilespmem:$0x1D800] =	vst v63  }
0x22: {  	s16 =	simm.s32 $0x12800  }
0x23: {  	[tilespmem:s16], [sflag:$0x1] =	stream.indirect_vreg.gather [hbm4b:s9+s3], $0x80, v4, vm0, $0xb8;
	[tilespmem:$0x1D800] =	vst v63  }
0x24: {  	s19 =	simm.s32 $0x13000  }
0x25: {  	[tilespmem:s19], [sflag:$0x1] =	stream.indirect_vreg.gather [hbm4b:s2+s3], $0x80, v3, vm0, $0xb8;
	[tilespmem:$0x1D800] =	vst v63  }
0x26: {  	s22 =	simm.s32 $0x13800  }
0x27: {  	[tilespmem:s22], [sflag:$0x1] =	stream.indirect_vreg.gather [hbm4b:s8+s3], $0x80, v3, vm0, $0xb8;
	[tilespmem:$0x1D800] =	vst v63  }
0x28: {  	s23 =	simm.s32 $0x14000  }
0x29: {  	[tilespmem:s23], [sflag:$0x1] =	stream.indirect_vreg.gather [hbm4b:s9+s3], $0x80, v3, vm0, $0xb8;
	[tilespmem:$0x1D800] =	vst v63  }
0x2a: {  	v3 =	vld [tilespmem:$0x10];
	_ =	sdelay $0x4  }
0x2b: {  	v63 =	vshrl.u32 v3, $0x3  }
0x2c: {  	v4 =	vmul.u32 $0x30, v63  }
0x2d: {  	v3 =	vand.u32 $0x7, v3  }
0x2e: {  	v3 =	vor.u32 v3, v4  }
0x2f: {  	v4 =	vperm.xlane v3, v0;
	_ =	sdelay $0x1  }
0x30: {  	v4 =	vadd.s32 v1, v4;
	_ =	sdelay $0x3  }
0x31: {  	s24 =	simm.s32 $0x14800;
	v3 =	vperm.xlane v3, v2  }
0x32: {  	[tilespmem:s24], [sflag:$0x2] =	stream.indirect_vreg.gather [hbm4b:s2+s3], $0x80, v4, vm0, $0xb8;
	[tilespmem:$0x1D800] =	vst v63  }
0x33: {  	s25 =	simm.s32 $0x15000;
	s26 =	simm.s32 $0x15800;
	v3 =	vadd.s32 v1, v3  }
0x34: {  	[tilespmem:s25], [sflag:$0x2] =	stream.indirect_vreg.gather [hbm4b:s8+s3], $0x80, v4, vm0, $0xb8;
	[tilespmem:$0x1D800] =	vst v63  }
0x35: {  	s29 =	simm.s32 $0x16000;
	s30 =	simm.s32 $0x16800;
	s31 =	simm.s32 $0x17000  }
0x36: {  	[tilespmem:s26], [sflag:$0x2] =	stream.indirect_vreg.gather [hbm4b:s9+s3], $0x80, v4, vm0, $0xb8;
	[tilespmem:$0x1D800] =	vst v63  }
0x37: {  	s10 =	simm.s32 $0x5800;
	s28 =	simm.s32 $0x0;
	s5 =	simm.s32 $0x2  }
0x38: {  	[tilespmem:s29], [sflag:$0x2] =	stream.indirect_vreg.gather [hbm4b:s2+s3], $0x80, v3, vm0, $0xb8;
	[tilespmem:$0x1D800] =	vst v63  }
0x39: {  	s7 =	simm.s32 $0x0;
	s12 =	simm.s32 $0x1;
	s22 =	simm.s32 $0x8840  }
0x3a: {  	[tilespmem:s30], [sflag:$0x2] =	stream.indirect_vreg.gather [hbm4b:s8+s3], $0x80, v3, vm0, $0xb8;
	[tilespmem:$0x1D800] =	vst v63  }
0x3b: {  	s23 =	simm.s32 $0xB840;
	s24 =	simm.s32 $0x3;
	s26 =	simm.s32 $0x0  }
0x3c: {  	[tilespmem:s31], [sflag:$0x2] =	stream.indirect_vreg.gather [hbm4b:s9+s3], $0x80, v3, vm0, $0xb8;
	[tilespmem:$0x1D800] =	vst v63  }
.LBB2_2:
0x3d: {  	s14 =	sshll.u32 s28, $0x2  }
0x3e: {  	s11 =	sadd.s32 $0xFFFFFFFC, s14  }
0x3f: {  	p0 =	sgt.u32 s11, $0x27B  }
0x40: {  	s11 =	simm.s32 @!p0 $0x7  }
0x41: {  	s13 =	sor.u32 $0x2, s14;
	_ =	swait.ge @!p0 [sflag:s11], $0x3000  }
0x42: {  	s30 =	sshll.u32 s13, $0x4;
	[sflag:s11] =	ssyncset.done @!p0 $0x0  }
0x43: {  	s16 =	sand.u32 $0x3FFFFFF0, s30;
	[sflag:s11] =	ssyncadd.s32 @!p0 $0xFFFFD000  }
0x44: {  	v3 =	vld [tilespmem:s16+$0x0];
	_ =	sdelay $0x4  }
0x45: {  	v4 =	vshrl.u32 v3, $0x3  }
0x46: {  	v4 =	vmul.u32 $0x30, v4  }
0x47: {  	v3 =	vand.u32 $0x7, v3  }
0x48: {  	v3 =	vor.u32 v3, v4  }
0x49: {  	v4 =	vperm.xlane v3, v0;
	_ =	sdelay $0x1  }
0x4a: {  	s25 =	smulhi.u32 $0xCCCCCCCD, s5;
	s15 =	sand.u32 $0xFFFF, s7;
	v4 =	vadd.s32 v1, v4  }
0x4b: {  	s15 =	smul.u32 $0xCCCD, s15  }
0x4c: {  	s19 =	smulhi.u32 $0xCCCCCCCD, s24;
	s13 =	sshrl.u32 s25, $0x2  }
0x4d: {  	s15 =	sshrl.u32 s15, $0x12;
	s13 =	smul.u32 $0xFFFC4000, s13  }
0x4e: {  	s31 =	simm.s32 $0x0;
	s15 =	smul.u32 $0x50, s15;
	s11 =	sshrl.u32 s19, $0x2;
	v3 =	vperm.xlane v3, v2  }
0x4f: {  	[tilespmem:s17], [sflag:$0x3] =	stream.indirect_vreg.gather [hbm4b:s2+s31], $0x80, v4, vm0, $0xb8;
	[tilespmem:$0x1D800] =	vst v63  }
0x50: {  	s19 =	simm.s32 $0x18000;
	s15 =	ssub.s32 s26, s15;
	s11 =	smul.u32 $0xFFFC4000, s11;
	v3 =	vadd.s32 v1, v3  }
0x51: {  	[tilespmem:s19], [sflag:$0x3] =	stream.indirect_vreg.gather [hbm4b:s8+s31], $0x80, v4, vm0, $0xb8;
	[tilespmem:$0x1D800] =	vst v63  }
0x52: {  	s25 =	simm.s32 $0x18800;
	s16 =	smulhi.u32 $0xCCCCCCCD, s12;
	s15 =	sand.u32 $0xFFFF, s15  }
0x53: {  	[tilespmem:s25], [sflag:$0x3] =	stream.indirect_vreg.gather [hbm4b:s9+s31], $0x80, v4, vm0, $0xb8;
	[tilespmem:$0x1D800] =	vst v63  }
0x54: {  	s15 =	smul.u32 $0xC00, s15;
	s16 =	sshrl.u32 s16, $0x2;
	s19 =	simm.s32 $0x19000  }
0x55: {  	[tilespmem:s19], [sflag:$0x3] =	stream.indirect_vreg.gather [hbm4b:s2+s31], $0x80, v3, vm0, $0xb8;
	[tilespmem:$0x1D800] =	vst v63  }
0x56: {  	s11 =	sshra.s32 s11, $0x2;
	s16 =	smul.u32 $0xFFFC4000, s16;
	s25 =	simm.s32 $0x19800  }
0x57: {  	[tilespmem:s25], [sflag:$0x3] =	stream.indirect_vreg.gather [hbm4b:s8+s31], $0x80, v3, vm0, $0xb8;
	[tilespmem:$0x1D800] =	vst v63  }
0x58: {  	s29 =	sadd.s32 s11, s23;
	s15 =	sshrl.u32 s15, $0x2;
	s19 =	simm.s32 $0x1A000  }
0x59: {  	[tilespmem:s19], [sflag:$0x3] =	stream.indirect_vreg.gather [hbm4b:s9+s31], $0x80, v3, vm0, $0xb8;
	[tilespmem:$0x1D800] =	vst v63  }
0x5a: {  	s15 =	sadd.s32 $0x2840, s15;
	s17 =	sshra.s32 s13, $0x2;
	_ =	swait.ge [sflag:s1], $0x3000  }
0x5b: {  	s13 =	sadd.s32 s17, s22;
	s25 =	sshra.s32 s16, $0x2;
	[sflag:s1] =	ssyncset.done $0x0  }
0x5c: {  	s16 =	simm.s32 $0x0;
	s11 =	sadd.s32 s25, s10;
	[sflag:s1] =	ssyncadd.s32 $0xFFFFD000  }
.LBB2_3:
0x5d: {  	v3 =	vld [tilespmem:s15+$0x30]  }
0x5e: {  	s17 =	sshrl.u32 s16, $0x3;
	v4 =	vld [tilespmem:s15+$0xFFFFFFD0]  }
0x5f: {  	s19 =	sand.u32 $0x7, s31;
	v5 =	vld [tilespmem:s15+$0xFFFFFFE0];
	s17 =	smul.u32 $0x6000, s17  }
0x60: {  	v6 =	vld [tilespmem:s15+$0xFFFFFFF0];
	s19 =	sshll.u32 s19, $0x9  }
0x61: {  	v7 =	vld [tilespmem:s15+$0x0];
	s17 =	sor.u32 s19, s17  }
0x62: {  	v8 =	vld [tilespmem:s15+$0x20];
	s17 =	sshra.s32 s17, $0x2  }
0x63: {  	v9 =	vld [tilespmem:s15+$0xFFFFFFC0];
	s19 =	sadd.s32 $0x11800, s17  }
0x64: {  	[tilespmem:s19+$0x70] =	vst.add.f32.msk $0xffff, v3  }
0x65: {  	v3 =	vld [tilespmem:s15+$0x10]  }
0x66: {  	[tilespmem:s19+$0x10] =	vst.add.f32.msk $0xffff, v4  }
0x67: {  	[tilespmem:s19+$0x20] =	vst.add.f32.msk $0xffff, v5  }
0x68: {  	[tilespmem:s19+$0x30] =	vst.add.f32.msk $0xffff, v6  }
0x69: {  	[tilespmem:s19+$0x40] =	vst.add.f32.msk $0xffff, v7  }
0x6a: {  	[tilespmem:s19+$0x0] =	vst.add.f32.msk $0xffff, v9  }
0x6b: {  	[tilespmem:s19+$0x60] =	vst.add.f32.msk $0xffff, v8  }
0x6c: {  	s25 =	sadd.s32 $0x80, s15;
	s17 =	simm.s32 $0x0;
	[tilespmem:s19+$0x50] =	vst.add.f32.msk $0xffff, v3  }
.LBB2_4:
0x6d: {  	v3 =	vld [tilespmem:s25+$0x30];
	s17 =	sadd.s32 $0x8, s17  }
0x6e: {  	v4 =	vld [tilespmem:s25+$0xFFFFFFD0];
	p0 =	slt.u32 s17, $0x28  }
0x6f: {  	v5 =	vld [tilespmem:s25+$0xFFFFFFE0]  }
0x70: {  	v6 =	vld [tilespmem:s25+$0xFFFFFFF0]  }
0x71: {  	s19 =	sadd.s32 $0x400, s19;
	v7 =	vld [tilespmem:s25+$0x0]  }
0x72: {  	[tilespmem:s19+$0x70] =	vst.add.f32.msk $0xffff, v3  }
0x73: {  	v3 =	vld [tilespmem:s25+$0x10]  }
0x74: {  	v8 =	vld [tilespmem:s25+$0x20]  }
0x75: {  	v9 =	vld [tilespmem:s25+$0xFFFFFFC0]  }
0x76: {  	[tilespmem:s19+$0x10] =	vst.add.f32.msk $0xffff, v4  }
0x77: {  	[tilespmem:s19+$0x20] =	vst.add.f32.msk $0xffff, v5  }
.Ltmp0:
0x78: {  	[tilespmem:s19+$0x30] =	vst.add.f32.msk $0xffff, v6;
	(pc) =	sbr.rel @p0 .LBB2_4-.Ltmp0, $4  }
0x79: {  	[tilespmem:s19+$0x40] =	vst.add.f32.msk $0xffff, v7  }
0x7a: {  	[tilespmem:s19+$0x0] =	vst.add.f32.msk $0xffff, v9  }
0x7b: {  	[tilespmem:s19+$0x50] =	vst.add.f32.msk $0xffff, v3  }
0x7c: {  	s25 =	sadd.s32 $0x80, s25;
	[tilespmem:s19+$0x60] =	vst.add.f32.msk $0xffff, v8  }
0x7d: {  	s16 =	sadd.s32 $0x1, s16  }
0x7e: {  	p0 =	sne.s32 s16, $0x10  }
.Ltmp1:
0x7f: {  	_ = 	snop;
	(pc) =	sbr.rel @p0 .LBB2_3-.Ltmp1, $2  }
0x80: {  	_ =	sdelay $0x2  }
0x81: {  	s31 =	sadd.s32 $0x1, s31;
	s15 =	sadd.s32 $0x300, s15  }
0x82: {  	s15 =	sshll.u32 s28, $0x6  }
0x83: {  	s15 =	sadd.s32 s4, s15  }
0x84: {  	s15 =	sshrl.u32 s15, $0x3  }
0x85: {  	s15 =	smul.u32 $0x300, s15;
	_ =	sdelay $0x1  }
0x86: {  	s16 =	simm.s32 $0x11800;
	p0 =	seq.s32 s28, $0x0;
	s15 =	sadd.s32 s6, s15  }
0x87: {  	[hbm4b:s15+s3] =	stream.linear.scatter [tilespmem:s16], [sflag:$0x5], $0x3000, $0x38;
	[tilespmem:$0x1D800] =	vst v63  }
0x88: {  	s15 =	simm.s32 @!p0 $0x8  }
0x89: {  	s25 =	sor.u32 $0x3, s14;
	_ =	swait.ge @!p0 [sflag:s15], $0x3000  }
0x8a: {  	s31 =	sshll.u32 s25, $0x4;
	[sflag:s15] =	ssyncset.done @!p0 $0x0  }
0x8b: {  	s17 =	sand.u32 $0x3FFFFFF0, s31;
	[sflag:s15] =	ssyncadd.s32 @!p0 $0xFFFFD000  }
0x8c: {  	v3 =	vld [tilespmem:s17+$0x0];
	_ =	sdelay $0x4  }
0x8d: {  	v4 =	vshrl.u32 v3, $0x3  }
0x8e: {  	v4 =	vmul.u32 $0x30, v4  }
0x8f: {  	v3 =	vand.u32 $0x7, v3  }
0x90: {  	v3 =	vor.u32 v3, v4  }
0x91: {  	v4 =	vperm.xlane v3, v0;
	_ =	sdelay $0x1  }
0x92: {  	v4 =	vadd.s32 v1, v4;
	_ =	sdelay $0x3  }
0x93: {  	s15 =	simm.s32 $0x0;
	v3 =	vperm.xlane v3, v2  }
0x94: {  	[tilespmem:s0], [sflag:$0x4] =	stream.indirect_vreg.gather [hbm4b:s2+s15], $0x80, v4, vm0, $0xb8;
	[tilespmem:$0x1D800] =	vst v63  }
0x95: {  	s19 =	simm.s32 $0x1B000;
	v3 =	vadd.s32 v1, v3  }
0x96: {  	[tilespmem:s19], [sflag:$0x4] =	stream.indirect_vreg.gather [hbm4b:s8+s15], $0x80, v4, vm0, $0xb8;
	[tilespmem:$0x1D800] =	vst v63  }
0x97: {  	s25 =	simm.s32 $0x1B800  }
0x98: {  	[tilespmem:s25], [sflag:$0x4] =	stream.indirect_vreg.gather [hbm4b:s9+s15], $0x80, v4, vm0, $0xb8;
	[tilespmem:$0x1D800] =	vst v63  }
0x99: {  	s17 =	simm.s32 $0x1C000  }
0x9a: {  	[tilespmem:s17], [sflag:$0x4] =	stream.indirect_vreg.gather [hbm4b:s2+s15], $0x80, v3, vm0, $0xb8;
	[tilespmem:$0x1D800] =	vst v63  }
0x9b: {  	s19 =	simm.s32 $0x1C800  }
0x9c: {  	[tilespmem:s19], [sflag:$0x4] =	stream.indirect_vreg.gather [hbm4b:s8+s15], $0x80, v3, vm0, $0xb8;
	[tilespmem:$0x1D800] =	vst v63  }
0x9d: {  	s25 =	simm.s32 $0x1D000  }
0x9e: {  	[tilespmem:s25], [sflag:$0x4] =	stream.indirect_vreg.gather [hbm4b:s9+s15], $0x80, v3, vm0, $0xb8;
	[tilespmem:$0x1D800] =	vst v63  }
0x9f: {  	_ =	swait.ge [sflag:s18], $0x3000  }
0xa0: {  	[sflag:s18] =	ssyncset.done $0x0  }
0xa1: {  	s14 =	sor.u32 $0x1, s14;
	s16 =	simm.s32 $0x0;
	[sflag:s18] =	ssyncadd.s32 $0xFFFFD000  }
.LBB2_7:
0xa2: {  	v3 =	vld [tilespmem:s11+$0x70]  }
0xa3: {  	s17 =	sshrl.u32 s16, $0x3;
	v4 =	vld [tilespmem:s11+$0x10]  }
0xa4: {  	s19 =	sand.u32 $0x7, s15;
	v5 =	vld [tilespmem:s11+$0x20];
	s17 =	smul.u32 $0x6000, s17  }
0xa5: {  	v6 =	vld [tilespmem:s11+$0x30];
	s19 =	sshll.u32 s19, $0x9  }
0xa6: {  	v7 =	vld [tilespmem:s11+$0x40];
	s17 =	sor.u32 s19, s17  }
0xa7: {  	v8 =	vld [tilespmem:s11+$0x60];
	s17 =	sshra.s32 s17, $0x2  }
0xa8: {  	v9 =	vld [tilespmem:s11+$0x0];
	s19 =	sadd.s32 $0x14800, s17  }
0xa9: {  	[tilespmem:s19+$0x70] =	vst.add.f32.msk $0xffff, v3  }
0xaa: {  	v3 =	vld [tilespmem:s11+$0x50]  }
0xab: {  	[tilespmem:s19+$0x10] =	vst.add.f32.msk $0xffff, v4  }
0xac: {  	[tilespmem:s19+$0x20] =	vst.add.f32.msk $0xffff, v5  }
0xad: {  	[tilespmem:s19+$0x30] =	vst.add.f32.msk $0xffff, v6  }
0xae: {  	[tilespmem:s19+$0x40] =	vst.add.f32.msk $0xffff, v7  }
0xaf: {  	[tilespmem:s19+$0x0] =	vst.add.f32.msk $0xffff, v9  }
0xb0: {  	[tilespmem:s19+$0x60] =	vst.add.f32.msk $0xffff, v8  }
0xb1: {  	s25 =	sadd.s32 $0x80, s11;
	s17 =	simm.s32 $0x0;
	[tilespmem:s19+$0x50] =	vst.add.f32.msk $0xffff, v3  }
.LBB2_8:
0xb2: {  	v3 =	vld [tilespmem:s25+$0x70];
	s17 =	sadd.s32 $0x8, s17  }
0xb3: {  	v4 =	vld [tilespmem:s25+$0x10];
	p0 =	slt.u32 s17, $0x28  }
0xb4: {  	v5 =	vld [tilespmem:s25+$0x20]  }
0xb5: {  	v6 =	vld [tilespmem:s25+$0x30]  }
0xb6: {  	s19 =	sadd.s32 $0x400, s19;
	v7 =	vld [tilespmem:s25+$0x40]  }
0xb7: {  	[tilespmem:s19+$0x70] =	vst.add.f32.msk $0xffff, v3  }
0xb8: {  	v3 =	vld [tilespmem:s25+$0x50]  }
0xb9: {  	v8 =	vld [tilespmem:s25+$0x60]  }
0xba: {  	v9 =	vld [tilespmem:s25+$0x0]  }
0xbb: {  	[tilespmem:s19+$0x10] =	vst.add.f32.msk $0xffff, v4  }
0xbc: {  	[tilespmem:s19+$0x20] =	vst.add.f32.msk $0xffff, v5  }
.Ltmp2:
0xbd: {  	[tilespmem:s19+$0x30] =	vst.add.f32.msk $0xffff, v6;
	(pc) =	sbr.rel @p0 .LBB2_8-.Ltmp2, $4  }
0xbe: {  	[tilespmem:s19+$0x40] =	vst.add.f32.msk $0xffff, v7  }
0xbf: {  	[tilespmem:s19+$0x0] =	vst.add.f32.msk $0xffff, v9  }
0xc0: {  	[tilespmem:s19+$0x50] =	vst.add.f32.msk $0xffff, v3  }
0xc1: {  	s25 =	sadd.s32 $0x80, s25;
	[tilespmem:s19+$0x60] =	vst.add.f32.msk $0xffff, v8  }
0xc2: {  	s16 =	sadd.s32 $0x1, s16  }
0xc3: {  	p0 =	sne.s32 s16, $0x10  }
.Ltmp3:
0xc4: {  	_ = 	snop;
	(pc) =	sbr.rel @p0 .LBB2_7-.Ltmp3, $2  }
0xc5: {  	_ =	sdelay $0x2  }
0xc6: {  	s15 =	sadd.s32 $0x1, s15;
	s11 =	sadd.s32 $0x300, s11  }
0xc7: {  	s11 =	sshll.u32 s14, $0x4  }
0xc8: {  	s11 =	sadd.s32 s4, s11  }
0xc9: {  	s11 =	sshrl.u32 s11, $0x3  }
0xca: {  	s11 =	smul.u32 $0x300, s11;
	_ =	sdelay $0x1  }
0xcb: {  	s25 =	simm.s32 $0x14800;
	p0 =	seq.s32 s28, $0x9F;
	s11 =	sadd.s32 s6, s11  }
0xcc: {  	[hbm4b:s11+s3] =	stream.linear.scatter [tilespmem:s25], [sflag:$0x6], $0x3000, $0x38;
	[tilespmem:$0x1D800] =	vst v63  }
0xcd: {  	s11 =	simm.s32 @!p0 $0x5  }
0xce: {  	_ =	swait.ge @!p0 [sflag:s11], $0x3000  }
0xcf: {  	s14 =	sshll.u32 @!p0 s28, $0x6;
	[sflag:s11] =	ssyncset.done @!p0 $0x0  }
0xd0: {  	[sflag:s11] =	ssyncadd.s32 @!p0 $0xFFFFD000;
	s11 =	sand.u32 @!p0 $0x3FFFFFC0, s14  }
0xd1: {  	v3 =	vld @!p0 [tilespmem:s11+$0x40];
	_ =	sdelay $0x4  }
0xd2: {  	v4 =	vshrl.u32 @!p0 v3, $0x3  }
0xd3: {  	v4 =	vmul.u32 @!p0 $0x30, v4  }
0xd4: {  	v5 =	vlaneseq.u32 @!p0;
	v3 =	vand.u32 @!p0 $0x7, v3  }
0xd5: {  	v6 =	vshrl.u32 @!p0 v5, $0x3;
	v3 =	vor.u32 @!p0 v3, v4;
	v4 =	vand.u32 @!p0 $0x7, v5  }
0xd6: {  	v6 =	vmul.u32 @!p0 $0x8, v6;
	v4 =	vperm.xlane @!p0 v3, v4;
	_ =	sdelay $0x1  }
0xd7: {  	v4 =	vadd.s32 @!p0 v6, v4;
	_ =	sdelay $0x2  }
0xd8: {  	v5 =	vor.u32 @!p0 $0x8, v5  }
0xd9: {  	vm1 =	vmmov @!p0 $0xffff;
	s15 =	simm.s32 @!p0 $0x11800;
	s14 =	simm.s32 @!p0 $0x0;
	v3 =	vperm.xlane @!p0 v3, v5  }
0xda: {  	[tilespmem:s15], [sflag:$0x1] =	stream.indirect_vreg.gather @!p0 [hbm4b:s2+s14], $0x80, v4, vm1, $0xb8;
	[tilespmem:$0x1D800] =	vst v63  }
0xdb: {  	v3 =	vadd.s32 @!p0 v6, v3;
	s15 =	simm.s32 @!p0 $0x12000  }
0xdc: {  	[tilespmem:s15], [sflag:$0x1] =	stream.indirect_vreg.gather @!p0 [hbm4b:s8+s14], $0x80, v4, vm1, $0xb8;
	[tilespmem:$0x1D800] =	vst v63  }
0xdd: {  	s15 =	simm.s32 @!p0 $0x12800  }
0xde: {  	[tilespmem:s15], [sflag:$0x1] =	stream.indirect_vreg.gather @!p0 [hbm4b:s9+s14], $0x80, v4, vm1, $0xb8;
	[tilespmem:$0x1D800] =	vst v63  }
0xdf: {  	s15 =	simm.s32 @!p0 $0x13000  }
0xe0: {  	[tilespmem:s15], [sflag:$0x1] =	stream.indirect_vreg.gather @!p0 [hbm4b:s2+s14], $0x80, v3, vm1, $0xb8;
	[tilespmem:$0x1D800] =	vst v63  }
0xe1: {  	s15 =	simm.s32 @!p0 $0x13800  }
0xe2: {  	[tilespmem:s15], [sflag:$0x1] =	stream.indirect_vreg.gather @!p0 [hbm4b:s8+s14], $0x80, v3, vm1, $0xb8;
	[tilespmem:$0x1D800] =	vst v63  }
0xe3: {  	s15 =	simm.s32 @!p0 $0x14000  }
0xe4: {  	[tilespmem:s15], [sflag:$0x1] =	stream.indirect_vreg.gather @!p0 [hbm4b:s9+s14], $0x80, v3, vm1, $0xb8;
	[tilespmem:$0x1D800] =	vst v63  }
0xe5: {  	_ =	swait.ge [sflag:s20], $0x3000  }
0xe6: {  	[sflag:s20] =	ssyncset.done $0x0  }
0xe7: {  	s14 =	simm.s32 $0x0;
	s15 =	simm.s32 $0x0;
	[sflag:s20] =	ssyncadd.s32 $0xFFFFD000  }
.LBB2_11:
0xe8: {  	v3 =	vld [tilespmem:s13+$0x30]  }
0xe9: {  	s16 =	sshrl.u32 s15, $0x3;
	v4 =	vld [tilespmem:s13+$0xFFFFFFD0]  }
0xea: {  	s17 =	sand.u32 $0x7, s14;
	v5 =	vld [tilespmem:s13+$0xFFFFFFE0];
	s16 =	smul.u32 $0x6000, s16  }
0xeb: {  	v6 =	vld [tilespmem:s13+$0xFFFFFFF0];
	s17 =	sshll.u32 s17, $0x9  }
0xec: {  	v7 =	vld [tilespmem:s13+$0x0];
	s16 =	sor.u32 s17, s16  }
0xed: {  	v8 =	vld [tilespmem:s13+$0x20];
	s16 =	sshra.s32 s16, $0x2  }
0xee: {  	v9 =	vld [tilespmem:s13+$0xFFFFFFC0];
	s16 =	sadd.s32 $0x17800, s16  }
0xef: {  	[tilespmem:s16+$0x70] =	vst.add.f32.msk $0xffff, v3  }
0xf0: {  	v3 =	vld [tilespmem:s13+$0x10]  }
0xf1: {  	[tilespmem:s16+$0x10] =	vst.add.f32.msk $0xffff, v4  }
0xf2: {  	[tilespmem:s16+$0x20] =	vst.add.f32.msk $0xffff, v5  }
0xf3: {  	[tilespmem:s16+$0x30] =	vst.add.f32.msk $0xffff, v6  }
0xf4: {  	[tilespmem:s16+$0x40] =	vst.add.f32.msk $0xffff, v7  }
0xf5: {  	[tilespmem:s16+$0x0] =	vst.add.f32.msk $0xffff, v9  }
0xf6: {  	[tilespmem:s16+$0x60] =	vst.add.f32.msk $0xffff, v8  }
0xf7: {  	s19 =	sadd.s32 $0x80, s13;
	s17 =	simm.s32 $0x0;
	[tilespmem:s16+$0x50] =	vst.add.f32.msk $0xffff, v3  }
.LBB2_12:
0xf8: {  	v3 =	vld [tilespmem:s19+$0x30];
	s17 =	sadd.s32 $0x8, s17  }
0xf9: {  	v4 =	vld [tilespmem:s19+$0xFFFFFFD0];
	p1 =	slt.u32 s17, $0x28  }
0xfa: {  	v5 =	vld [tilespmem:s19+$0xFFFFFFE0]  }
0xfb: {  	v6 =	vld [tilespmem:s19+$0xFFFFFFF0]  }
0xfc: {  	s16 =	sadd.s32 $0x400, s16;
	v7 =	vld [tilespmem:s19+$0x0]  }
0xfd: {  	[tilespmem:s16+$0x70] =	vst.add.f32.msk $0xffff, v3  }
0xfe: {  	v3 =	vld [tilespmem:s19+$0x10]  }
0xff: {  	v8 =	vld [tilespmem:s19+$0x20]  }
0x100: {  	v9 =	vld [tilespmem:s19+$0xFFFFFFC0]  }
0x101: {  	[tilespmem:s16+$0x10] =	vst.add.f32.msk $0xffff, v4  }
0x102: {  	[tilespmem:s16+$0x20] =	vst.add.f32.msk $0xffff, v5  }
.Ltmp4:
0x103: {  	[tilespmem:s16+$0x30] =	vst.add.f32.msk $0xffff, v6;
	(pc) =	sbr.rel @p1 .LBB2_12-.Ltmp4, $4  }
0x104: {  	[tilespmem:s16+$0x40] =	vst.add.f32.msk $0xffff, v7  }
0x105: {  	[tilespmem:s16+$0x0] =	vst.add.f32.msk $0xffff, v9  }
0x106: {  	[tilespmem:s16+$0x50] =	vst.add.f32.msk $0xffff, v3  }
0x107: {  	s19 =	sadd.s32 $0x80, s19;
	[tilespmem:s16+$0x60] =	vst.add.f32.msk $0xffff, v8  }
0x108: {  	s15 =	sadd.s32 $0x1, s15  }
0x109: {  	p1 =	sne.s32 s15, $0x10  }
.Ltmp5:
0x10a: {  	_ = 	snop;
	(pc) =	sbr.rel @p1 .LBB2_11-.Ltmp5, $2  }
0x10b: {  	_ =	sdelay $0x2  }
0x10c: {  	s14 =	sadd.s32 $0x1, s14;
	s13 =	sadd.s32 $0x300, s13  }
0x10d: {  	s13 =	sadd.s32 s4, s30  }
0x10e: {  	s13 =	sshrl.u32 s13, $0x3  }
0x10f: {  	s13 =	smul.u32 $0x300, s13;
	_ =	sdelay $0x1  }
0x110: {  	s17 =	simm.s32 $0x17800;
	s13 =	sadd.s32 s6, s13  }
0x111: {  	[hbm4b:s13+s3] =	stream.linear.scatter [tilespmem:s17], [sflag:$0x7], $0x3000, $0x38;
	[tilespmem:$0x1D800] =	vst v63  }
0x112: {  	s13 =	simm.s32 @!p0 $0x6  }
0x113: {  	_ =	swait.ge @!p0 [sflag:s13], $0x3000  }
0x114: {  	[sflag:s13] =	ssyncset.done @!p0 $0x0  }
0x115: {  	[sflag:s13] =	ssyncadd.s32 @!p0 $0xFFFFD000  }
0x116: {  	v3 =	vld @!p0 [tilespmem:s11+$0x50];
	_ =	sdelay $0x4  }
0x117: {  	v4 =	vshrl.u32 @!p0 v3, $0x3  }
0x118: {  	v4 =	vmul.u32 @!p0 $0x30, v4  }
0x119: {  	v5 =	vlaneseq.u32 @!p0;
	v3 =	vand.u32 @!p0 $0x7, v3  }
0x11a: {  	v6 =	vshrl.u32 @!p0 v5, $0x3;
	v3 =	vor.u32 @!p0 v3, v4;
	v4 =	vand.u32 @!p0 $0x7, v5  }
0x11b: {  	v6 =	vmul.u32 @!p0 $0x8, v6;
	v4 =	vperm.xlane @!p0 v3, v4;
	_ =	sdelay $0x1  }
0x11c: {  	v4 =	vadd.s32 @!p0 v6, v4;
	_ =	sdelay $0x2  }
0x11d: {  	v5 =	vor.u32 @!p0 $0x8, v5  }
0x11e: {  	s13 =	simm.s32 @!p0 $0x14800;
	s11 =	simm.s32 @!p0 $0x0;
	v3 =	vperm.xlane @!p0 v3, v5  }
0x11f: {  	[tilespmem:s13], [sflag:$0x2] =	stream.indirect_vreg.gather @!p0 [hbm4b:s2+s11], $0x80, v4, vm1, $0xb8;
	[tilespmem:$0x1D800] =	vst v63  }
0x120: {  	v3 =	vadd.s32 @!p0 v6, v3;
	s13 =	simm.s32 @!p0 $0x15000  }
0x121: {  	[tilespmem:s13], [sflag:$0x2] =	stream.indirect_vreg.gather @!p0 [hbm4b:s8+s11], $0x80, v4, vm1, $0xb8;
	[tilespmem:$0x1D800] =	vst v63  }
0x122: {  	s13 =	simm.s32 @!p0 $0x15800  }
0x123: {  	[tilespmem:s13], [sflag:$0x2] =	stream.indirect_vreg.gather @!p0 [hbm4b:s9+s11], $0x80, v4, vm1, $0xb8;
	[tilespmem:$0x1D800] =	vst v63  }
0x124: {  	s13 =	simm.s32 @!p0 $0x16000  }
0x125: {  	[tilespmem:s13], [sflag:$0x2] =	stream.indirect_vreg.gather @!p0 [hbm4b:s2+s11], $0x80, v3, vm1, $0xb8;
	[tilespmem:$0x1D800] =	vst v63  }
0x126: {  	s13 =	simm.s32 @!p0 $0x16800  }
0x127: {  	[tilespmem:s13], [sflag:$0x2] =	stream.indirect_vreg.gather @!p0 [hbm4b:s8+s11], $0x80, v3, vm1, $0xb8;
	[tilespmem:$0x1D800] =	vst v63  }
0x128: {  	s13 =	simm.s32 @!p0 $0x17000  }
0x129: {  	[tilespmem:s13], [sflag:$0x2] =	stream.indirect_vreg.gather @!p0 [hbm4b:s9+s11], $0x80, v3, vm1, $0xb8;
	[tilespmem:$0x1D800] =	vst v63  }
0x12a: {  	_ =	swait.ge [sflag:s21], $0x3000  }
0x12b: {  	[sflag:s21] =	ssyncset.done $0x0  }
0x12c: {  	s11 =	simm.s32 $0x0;
	s13 =	simm.s32 $0x0;
	[sflag:s21] =	ssyncadd.s32 $0xFFFFD000  }
.LBB2_15:
0x12d: {  	v3 =	vld [tilespmem:s29+$0x30]  }
0x12e: {  	s14 =	sshrl.u32 s13, $0x3;
	v4 =	vld [tilespmem:s29+$0xFFFFFFD0]  }
0x12f: {  	s15 =	sand.u32 $0x7, s11;
	v5 =	vld [tilespmem:s29+$0xFFFFFFE0];
	s14 =	smul.u32 $0x6000, s14  }
0x130: {  	v6 =	vld [tilespmem:s29+$0xFFFFFFF0];
	s15 =	sshll.u32 s15, $0x9  }
0x131: {  	v7 =	vld [tilespmem:s29+$0x0];
	s14 =	sor.u32 s15, s14  }
0x132: {  	v8 =	vld [tilespmem:s29+$0x20];
	s14 =	sshra.s32 s14, $0x2  }
0x133: {  	v9 =	vld [tilespmem:s29+$0xFFFFFFC0];
	s14 =	sadd.s32 $0x1A800, s14  }
0x134: {  	[tilespmem:s14+$0x70] =	vst.add.f32.msk $0xffff, v3  }
0x135: {  	v3 =	vld [tilespmem:s29+$0x10]  }
0x136: {  	[tilespmem:s14+$0x10] =	vst.add.f32.msk $0xffff, v4  }
0x137: {  	[tilespmem:s14+$0x20] =	vst.add.f32.msk $0xffff, v5  }
0x138: {  	[tilespmem:s14+$0x30] =	vst.add.f32.msk $0xffff, v6  }
0x139: {  	[tilespmem:s14+$0x40] =	vst.add.f32.msk $0xffff, v7  }
0x13a: {  	[tilespmem:s14+$0x0] =	vst.add.f32.msk $0xffff, v9  }
0x13b: {  	[tilespmem:s14+$0x60] =	vst.add.f32.msk $0xffff, v8  }
0x13c: {  	s16 =	sadd.s32 $0x80, s29;
	s15 =	simm.s32 $0x0;
	[tilespmem:s14+$0x50] =	vst.add.f32.msk $0xffff, v3  }
.LBB2_16:
0x13d: {  	v3 =	vld [tilespmem:s16+$0x30];
	s15 =	sadd.s32 $0x8, s15  }
0x13e: {  	v4 =	vld [tilespmem:s16+$0xFFFFFFD0];
	p0 =	slt.u32 s15, $0x28  }
0x13f: {  	v5 =	vld [tilespmem:s16+$0xFFFFFFE0]  }
0x140: {  	v6 =	vld [tilespmem:s16+$0xFFFFFFF0]  }
0x141: {  	s14 =	sadd.s32 $0x400, s14;
	v7 =	vld [tilespmem:s16+$0x0]  }
0x142: {  	[tilespmem:s14+$0x70] =	vst.add.f32.msk $0xffff, v3  }
0x143: {  	v3 =	vld [tilespmem:s16+$0x10]  }
0x144: {  	v8 =	vld [tilespmem:s16+$0x20]  }
0x145: {  	v9 =	vld [tilespmem:s16+$0xFFFFFFC0]  }
0x146: {  	[tilespmem:s14+$0x10] =	vst.add.f32.msk $0xffff, v4  }
0x147: {  	[tilespmem:s14+$0x20] =	vst.add.f32.msk $0xffff, v5  }
.Ltmp6:
0x148: {  	[tilespmem:s14+$0x30] =	vst.add.f32.msk $0xffff, v6;
	(pc) =	sbr.rel @p0 .LBB2_16-.Ltmp6, $4  }
0x149: {  	[tilespmem:s14+$0x40] =	vst.add.f32.msk $0xffff, v7  }
0x14a: {  	[tilespmem:s14+$0x0] =	vst.add.f32.msk $0xffff, v9  }
0x14b: {  	[tilespmem:s14+$0x50] =	vst.add.f32.msk $0xffff, v3  }
0x14c: {  	s16 =	sadd.s32 $0x80, s16;
	[tilespmem:s14+$0x60] =	vst.add.f32.msk $0xffff, v8  }
0x14d: {  	s13 =	sadd.s32 $0x1, s13  }
0x14e: {  	p0 =	sne.s32 s13, $0x10  }
.Ltmp7:
0x14f: {  	_ = 	snop;
	(pc) =	sbr.rel @p0 .LBB2_15-.Ltmp7, $2  }
0x150: {  	_ =	sdelay $0x2  }
0x151: {  	s11 =	sadd.s32 $0x1, s11;
	s29 =	sadd.s32 $0x300, s29  }
0x152: {  	s28 =	sadd.s32 $0x1, s28  }
0x153: {  	s11 =	sadd.s32 s4, s31;
	p0 =	sne.s32 s28, $0xA0  }
.Ltmp8:
0x154: {  	s26 =	sadd.s32 $0x40, s26;
	s11 =	sshrl.u32 s11, $0x3;
	(pc) =	sbr.rel @p0 .LBB2_2-.Ltmp8, $4  }
0x155: {  	s7 =	sadd.s32 $0x4, s7;
	s10 =	sadd.s32 $0xC000, s10;
	s11 =	smul.u32 $0x300, s11  }
0x156: {  	s12 =	sadd.s32 $0x4, s12;
	s22 =	sadd.s32 $0xC000, s22;
	s5 =	sadd.s32 $0x4, s5  }
0x157: {  	s23 =	sadd.s32 $0xC000, s23;
	s24 =	sadd.s32 $0x4, s24;
	s11 =	sadd.s32 s6, s11  }
0x158: {  	[hbm4b:s11+s3] =	stream.linear.scatter [tilespmem:s0], [sflag:$0x8], $0x3000, $0x38;
	[tilespmem:$0x1D800] =	vst v63  }
0x159: {  	s5 =	simm.s32 $0x5  }
0x15a: {  	_ =	swait.ge [sflag:s5], $0x3000  }
0x15b: {  	[sflag:s5] =	ssyncset.done $0x0  }
0x15c: {  	s29 =	simm.s32 $0x6;
	[sflag:s5] =	ssyncadd.s32 $0xFFFFD000  }
0x15d: {  	_ =	swait.ge [sflag:s29], $0x3000  }
0x15e: {  	[sflag:s29] =	ssyncset.done $0x0  }
0x15f: {  	s30 =	simm.s32 $0x7;
	[sflag:s29] =	ssyncadd.s32 $0xFFFFD000  }
0x160: {  	_ =	swait.ge [sflag:s30], $0x3000  }
0x161: {  	[sflag:s30] =	ssyncset.done $0x0  }
0x162: {  	s7 =	simm.s32 $0x8;
	[sflag:s30] =	ssyncadd.s32 $0xFFFFD000  }
0x163: {  	_ =	swait.ge [sflag:s7], $0x3000  }
0x164: {  	s10 =	rddreg [dreg:$0x7]  }
0x165: {  	s31 =	rddreg [dreg:$0x6];
	s10 =	sadd.s32 $0x1, s10  }
0x166: {  	p0 =	sne.s32 s10, s31  }
.Ltmp9:
0x167: {  	_ = 	snop;
	(pc) =	sbr.rel @p0 .LBB2_1-.Ltmp9, $3  }
0x168: {  	_ =	sdelay $0x1  }
0x169: {  	[sflag:s7] =	ssyncset.done $0x0  }
0x16a: {  	[sflag:s7] =	ssyncadd.s32 $0xFFFFD000  }
0x16b: {  	_ =	sfence.sel $0x180000  }
0x16c: {  	[bflag:$0x0] =	sbarrier.arrive $0xFFFF  }
0x16d: {  	_ =	strace $0x90000047  }
0x16e: {  	s0 =	stileid.u32;
	[bflag:$0x2] =	sbarrier.arrive $0xFFFF  }
0x16f: {  	p0 =	sne.s32 s0, $0x0;
	s0 =	rddreg [dreg:$0x3]  }
0x170: {  	s0 =	sadd.s32 @!p0 $0x100000, s0  }
0x171: {  	[sflag:s0] =	ssyncadd.tile.s32 @!p0 $0x1;
	_ =	shalt  }
.Lfunc_end2:
_tile_overlayer_lowered:
.L_overlay_start_2:
0x172: {  	(tag) =	ssettag $0x2  }
0x173: {  	s0 =	rddreg [dreg:$0x0];
	s2 =	stileid.u32  }
0x174: {  	s1 =	rddreg [dreg:$0x1];
	p0 =	sne.s32 s2, $0x0  }
0x175: {  	s3 =	rddreg [dreg:$0x2];
	[bflag:$0x3] =	sbarrier.arrive $0xFFFF;
	s2 =	simm.s32 @!p0 $0x1C09  }
0x176: {  	[timem:s3], [sflag:s2] =	dma.local @!p0 [hbm:s0], s1  }
0x177: {  	s0 =	simm.s32 @!p0 $0x9  }
0x178: {  	_ =	swait.ge @!p0 [sflag:s0], s1  }
0x179: {  	s1 =	ssub.s32 @!p0 $0x0, s1;
	[sflag:s0] =	ssyncset.done @!p0 $0x0  }
0x17a: {  	[sflag:s0] =	ssyncadd.s32 @!p0 s1  }
0x17b: {  	[bflag:$0x3] =	sbarrier.arrive $0xFFFF  }
0x17c: {  	_ =	shalt  }

// kernel: sparse-core-data-format-call.cloned.1.call-start
scs
called_computation_lowered:
.L_overlay_start_0:
0x0: {  	s2 =	sld [smem:$0x3FD9]  }
0x1: {  	s3 =	sld [smem:$0x3FFE];
	_ =	sdelay $0x1  }
0x2: {  	s1 =	srdreg.scid  }
0x3: {  	s0 =	sand.u32 $0x1, s1  }
0x4: {  	s18 =	sshll.u32 s0, $0xA;
	s2 =	sadd.s32 s3, s2  }
0x5: {  	s2 =	sadd.s32 s2, s18  }
0x6: {  	[smem:$0x3FC5] =	sst s2  }
0x7: {  	_ = 	snop  }
0x8: {  	s2 =	sld [smem:$0x3FD0];
	(tm) =	ssettm $0x1  }
0x9: {  	s19 =	sld [smem:$0x3FFB];
	_ =	sdelay $0x3  }
0xa: {  	_ =	strace s19  }
0xb: {  	s3 =	sld [smem:$0x3FFC];
	_ =	sdelay $0x3  }
0xc: {  	_ =	strace s3  }
0xd: {  	s3 =	sld [smem:$0x3FFD];
	_ =	sdelay $0x3  }
0xe: {  	_ =	strace s3  }
0xf: {  	_ =	strace $0x8FFFFFFF  }
0x10: {  	s20 =	sld [smem:$0x3FDB];
	_ =	sdelay $0x1  }
0x11: {  	s4 =	simm.s32 $_scs_section_size  }
0x12: {  	s5 =	simm.s32 $_size__tile_overlayer_lowered;
	s6 =	simm.s32 $_tile_overlayer_lowered  }
0x13: {  	s23 =	simm.s32 $0x1BFF;
	s22 =	sshll.u32 s6, $0x1;
	s3 =	sadd.s32 s4, s20  }
0x14: {  	s7 =	simm.s32 $0x0;
	s21 =	sshll.u32 s5, $0x1;
	s5 =	sadd.s32 s22, s3  }
0x15: {  	[timem:s7], [sflag:s23] =	dma.local [hbm:s5], s21  }
0x16: {  	_ =	swait.ge [sflag:s23], s21  }
0x17: {  	s4 =	ssub.s32 $0x0, s21;
	[sflag:s23] =	ssyncset.done $0x0  }
0x18: {  	[sflag:s23] =	ssyncadd.s32 s4;
	_ =	sdelay $0x1  }
0x19: {  	s24 =	simm.s32 $0x1B8B  }
0x1a: {  	_ =	swait.ge [sflag:s24], $0x1  }
0x1b: {  	[sflag:s24] =	ssyncset.done $0x0  }
0x1c: {  	s26 =	simm.s32 $0x1B8E;
	s25 =	sld [smem:$0x3FFE];
	[sflag:s24] =	ssyncadd.s32 $0xFFFFFFFF  }
0x1d: {  	s27 =	simm.s32 $execute0_lowered;
	[smem:$0x3FD2] =	sst s26  }
0x1e: {  	s5 =	sshll.u32 s27, $0x1;
	_ =	strace $0x80000049;
	[dreg:$0x1] =	wrdreg $0xFFFFFFFF  }
0x1f: {  	s28 =	simm.s32 $_size_execute0_lowered;
	s3 =	sadd.s32 s3, s5;
	[dreg:$0x0] =	wrdreg $0x0  }
0x20: {  	s5 =	sshll.u32 s28, $0x1;
	[dreg:$0x2] =	wrdreg s3  }
0x21: {  	[dreg:$0x3] =	wrdreg s5  }
0x22: {  	[dreg:$0x4] =	wrdreg $0xC0  }
0x23: {  	_ =	task [dreg:s7], $0x5FFFF  }
0x24: {  	[dreg:$0x1] =	wrdreg $0xFFFFFFFF  }
0x25: {  	[dreg:$0x0] =	wrdreg $0x60  }
0x26: {  	[dreg:$0x2] =	wrdreg s25  }
0x27: {  	[dreg:$0x3] =	wrdreg s2  }
0x28: {  	[dreg:$0x4] =	wrdreg $0x9  }
0x29: {  	_ =	task.clear_ibuf [dreg:s7], $0x5FFFF;
	_ =	strace $0x90000049  }
0x2a: {  	s29 =	simm.s32 $0x9;
	_ =	strace $0x8000004B  }
0x2b: {  	_ =	swait.ge [sflag:s29], $0x1  }
0x2c: {  	[sflag:s29] =	ssyncadd.s32 $0xFFFFFFFF  }
0x2d: {  	_ =	strace $0x9000004B  }
0x2e: {  	_ =	sfence  }
0x2f: {  	s30 =	sld [smem:$0x0];
	_ =	sdelay $0x2  }
0x30: {  	s31 =	sshll.u32 s1, $0xD;
	s1 =	sshrl.u32 s1, $0x2  }
0x31: {  	s3 =	sand.u32 $0x4000, s31;
	s1 =	sadd.s32 s1, s30  }
0x32: {  	s0 =	sor.u32 s3, s0;
	s1 =	sshll.u32 s1, $0x11  }
0x33: {  	s0 =	sor.u32 s1, s0  }
0x34: {  	s0 =	sadd.s32 $0x8F2B, s0  }
0x35: {  	[sflag:s0] =	ssyncadd.remote.s32 $0x1  }
0x36: {  	_ =	sfence.sel $0xFFFF  }
0x37: {  	[dreg:$0x0] =	wrdreg $0xFFFFFFFF;
	(pc) =	sbr.abs _section_cstart, $3  }
0x38: {  	[dreg:$0x1] =	wrdreg $0xFFFFFFFF  }
0x39: {  	_ =	task.clear_ibuf [dreg:s7], $0x2FFFF;
	_ =	strace $0x9FFFFFFF  }
0x3a: {  	(tm) =	ssettm $0x7FFFFFFF  }
0x3b: {  	_ =	shalt  }
tec
execute0_lowered:
.L_overlay_start_1:
0x0: {  	(tag) =	ssettag $0x1  }
0x1: {  	s0 =	srdreg.scid  }
0x2: {  	s1 =	sshll.u32 s0, $0x4  }
0x3: {  	s6 =	rddreg [dreg:$0x0];
	s0 =	stileid.u32;
	s1 =	sand.u32 $0x10, s1  }
0x4: {  	s3 =	rddreg [dreg:$0x1];
	s1 =	sor.u32 s0, s1  }
0x5: {  	s5 =	simm.s32 $0x1;
	s31 =	simm.s32 $0x2;
	s2 =	sshll.u32 s1, $0x7  }
0x6: {  	s15 =	simm.s32 $0x0;
	s8 =	simm.s32 $0x1800;
	s4 =	ssub.s32 $0x1000, s2  }
0x7: {  	s9 =	simm.s32 $0x0;
	s14 =	simm.s32 $0x0;
	s30 =	sand.u32 $0xF80, s4  }
0x8: {  	s16 =	simm.s32 $0x0;
	s10 =	simm.s32 $0x0;
	p0 =	sne.s32 s30, $0x0  }
.Ltmp0:
0x9: {  	s7 =	sshrl.u32 s4, $0xC;
	s5 =	simm.s32 @!p0 $0x0;
	(pc) =	sbr.rel .LBB1_1-.Ltmp0, $4  }
0xa: {  	s11 =	simm.s32 $0x0;
	s1 =	rddreg [dreg:$0x2];
	s5 =	sadd.s32 s5, s7  }
0xb: {  	_ =	strace $0x8000004A;
	s4 =	simm.s32 $0x1;
	s5 =	smul.u32 $0x1CE, s5  }
0xc: {  	s13 =	simm.s32 $0x0;
	s6 =	sadd.s32 $0x2600, s6;
	[sflag:s4] =	ssyncpa.u1 $0x0  }
0xd: {  	s12 =	smov.u32 s2;
	[sflag:s31] =	ssyncpa.u1 $0x0;
	s7 =	sor.u32 $0x1, s5  }
.LBB1_4:
0xe: {  	_ =	sdelay $0x2  }
0xf: {  	s20 =	sshrl.u32 s16, $0x3  }
0x10: {  	[tilespmem:v0+s19+$0xFFFFFFD0 ss:$0x1] =	vst.idx.msk $0xffff, v7;
	s21 =	sshll.u32 s15, $0x3;
	s20 =	smul.u32 $0x1800, s20  }
0x11: {  	v56 =	vld.idx.msk [tilespmem:v1+s18+$0x0 ss:$0x1], $0xffff;
	[tilespmem:v0+s19+$0xFFFFFFE0 ss:$0x1] =	vst.idx.msk $0xffff, v5;
	s27 =	sshll.u32 s16, $0x7;
	s21 =	sand.u32 $0xFFFFFC00, s21  }
0x12: {  	v57 =	vld.idx.msk [tilespmem:v1+s18+$0xFFFFFF90 ss:$0x1], $0xffff;
	[tilespmem:v0+s19+$0xFFFFFFF0 ss:$0x1] =	vst.idx.msk $0xffff, v4;
	s16 =	sand.u32 $0x380, s27;
	s20 =	sadd.s32 s20, s21  }
0x13: {  	v58 =	vld.idx.msk [tilespmem:v1+s18+$0xFFFFFFA0 ss:$0x1], $0xffff;
	[tilespmem:v0+s19+$0x0 ss:$0x1] =	vst.idx.msk $0xffff, v2;
	s28 =	sand.u32 $0x7F, s15;
	s16 =	sor.u32 s16, s20  }
0x14: {  	v59 =	vld.idx.msk [tilespmem:v1+s18+$0xFFFFFFB0 ss:$0x1], $0xffff;
	[tilespmem:v0+s19+$0x10 ss:$0x1] =	vst.idx.msk $0xffff, v3;
	s15 =	sor.u32 s28, s16  }
0x15: {  	v60 =	vld.idx.msk [tilespmem:v1+s18+$0xFFFFFFC0 ss:$0x1], $0xffff;
	[tilespmem:v0+s19+$0x20 ss:$0x1] =	vst.idx.msk $0xffff, v6;
	s29 =	smulhi.u32 $0xAAAAAAAB, s15  }
0x16: {  	v61 =	vld.idx.msk [tilespmem:v1+s18+$0xFFFFFFD0 ss:$0x1], $0xffff;
	[tilespmem:v0+s18+$0x30 ss:$0x1] =	vst.idx.msk $0xffff, v56;
	s16 =	smulhi.u32 $0xAAAAAAAB, s16  }
0x17: {  	v62 =	vld.idx.msk [tilespmem:v1+s18+$0xFFFFFFE0 ss:$0x1], $0xffff;
	[tilespmem:v0+s18+$0xFFFFFFC0 ss:$0x1] =	vst.idx.msk $0xffff, v57;
	s19 =	sshrl.u32 s29, $0x9  }
0x18: {  	v63 =	vld.idx.msk [tilespmem:v1+s18+$0xFFFFFFF0 ss:$0x1], $0xffff;
	[tilespmem:v0+s18+$0xFFFFFFD0 ss:$0x1] =	vst.idx.msk $0xffff, v58;
	s16 =	sshrl.u32 s16, $0x9;
	s19 =	smul.u32 $0x300, s19  }
0x19: {  	s14 =	smul.u32 $0x60000, s14;
	[tilespmem:v0+s18+$0xFFFFFFE0 ss:$0x1] =	vst.idx.msk $0xffff, v59;
	s16 =	sand.u32 $0xFFF, s16  }
0x1a: {  	[tilespmem:v0+s18+$0xFFFFFFF0 ss:$0x1] =	vst.idx.msk $0xffff, v60;
	s16 =	smul.u32 $0x60, s16;
	s15 =	ssub.s32 s15, s19  }
0x1b: {  	s14 =	sadd.s32 s3, s14;
	[tilespmem:v0+s18+$0x0 ss:$0x1] =	vst.idx.msk $0xffff, v61;
	s19 =	sand.u32 $0x7, s15  }
0x1c: {  	[tilespmem:v0+s18+$0x10 ss:$0x1] =	vst.idx.msk $0xffff, v62;
	s14 =	sadd.s32 s16, s14;
	s15 =	sshrl.u32 s15, $0x3;
	s30 =	sshll.u32 s19, $0x12  }
0x1d: {  	[tilespmem:v0+s18+$0x20 ss:$0x1] =	vst.idx.msk $0xffff, v63;
	s14 =	sadd.s32 s15, s14;
	s31 =	sor.u32 $0x400, s30  }
0x1e: {  	[hbm4b:s14+s31] =	stream.strided.scatter [tilespmem:s17], [sflag:$0x2], $0x4000, s8, s31, $0x38;
	[tilespmem:$0x10000] =	vst v63  }
.LBB1_5:
0x1f: {  	s17 =	sadd.s32 $0x80, s10  }
0x20: {  	s14 =	simm.s32 $0x1;
	p1 =	sgt.s32 s17, $0x2FF  }
0x21: {  	s14 =	simm.s32 @!p1 $0x0  }
0x22: {  	s18 =	sadd.s32 s14, s11  }
0x23: {  	s20 =	smov.u32 s12;
	s14 =	sadd.s32 $0x1000, s12;
	p2 =	sgt.s32 s18, $0x4C  }
0x24: {  	s20 =	smov.u32 @p2 s14  }
0x25: {  	s17 =	simm.s32 @p1 $0x0;
	p1 =	sgt.s32 s20, $0xFFF  }
0x26: {  	p0 =	slt.u32 s13, $0x2;
	s20 =	smov.u32 @p1 s2;
	p1 =	sne.s32 s13, s7  }
.Ltmp1:
0x27: {  	s19 =	simm.s32 @!p0 $0x2;
	(pc) =	sbr.rel @!p1 .LBB1_6-.Ltmp1, $4  }
0x28: {  	s15 =	smov.u32 s10;
	s16 =	smov.u32 s12;
	_ =	swait.ge @!p0 [sflag:s19], $0x4000  }
0x29: {  	s9 =	sadd.s32 $0x4000, s9;
	[sflag:s19] =	ssyncset.done @!p0 $0x0;
	s10 =	smov.u32 s17  }
0x2a: {  	[sflag:s19] =	ssyncadd.s32 @!p0 $0xFFFFC000;
	s18 =	simm.s32 @p2 $0x0;
	s14 =	smov.u32 s11  }
0x2b: {  	s11 =	smov.u32 s18;
	s13 =	sadd.s32 $0x1, s13;
	s12 =	smov.u32 s20  }
.LBB1_1:
0x2c: {  	p0 =	sge.u32 s13, s5  }
0x2d: {  	s17 =	sshrl.u32 @!p0 s11, $0x3  }
0x2e: {  	s18 =	sshll.u32 @!p0 s10, $0x3;
	s17 =	smul.u32 @!p0 $0x1800, s17  }
0x2f: {  	s19 =	sshll.u32 @!p0 s11, $0x7;
	s18 =	sand.u32 @!p0 $0xFFFFFC00, s18  }
0x30: {  	s17 =	sadd.s32 @!p0 s17, s18;
	s18 =	sand.u32 @!p0 $0x380, s19  }
0x31: {  	s17 =	sor.u32 @!p0 s18, s17  }
0x32: {  	s18 =	sand.u32 @!p0 $0x7F, s10;
	s19 =	smulhi.u32 @!p0 $0xAAAAAAAB, s17  }
0x33: {  	s17 =	sor.u32 @!p0 s18, s17  }
0x34: {  	s18 =	smulhi.u32 @!p0 $0xAAAAAAAB, s17;
	s19 =	sshrl.u32 @!p0 s19, $0x9  }
0x35: {  	s20 =	smulhi.u32 @!p0 $0x3333334, s19;
	_ =	sdelay $0x1  }
0x36: {  	s18 =	sshrl.u32 @!p0 s18, $0x9;
	s20 =	smul.u32 @!p0 $0x50, s20  }
0x37: {  	s31 =	sadd.s32 $0xFFFFFFFF, s13;
	s18 =	smul.u32 @!p0 $0x300, s18  }
0x38: {  	s21 =	sxor.u32 @!p0 $0xFFFFFFFF, s13;
	s19 =	ssub.s32 @!p0 s19, s20;
	s20 =	smul.u32 @!p0 $0x1E00, s12  }
0x39: {  	s21 =	sshll.u32 @!p0 s21, $0xE;
	s17 =	ssub.s32 @!p0 s17, s18;
	s18 =	smul.u32 @!p0 $0x60, s19  }
0x3a: {  	s19 =	sand.u32 @!p0 $0x4000, s21;
	s21 =	sand.u32 @!p0 $0x7, s17;
	s20 =	sadd.s32 @!p0 s6, s20  }
0x3b: {  	s17 =	sshrl.u32 @!p0 s17, $0x3;
	s18 =	sadd.s32 @!p0 s18, s20;
	s20 =	sshll.u32 @!p0 s21, $0x12  }
0x3c: {  	s17 =	sadd.s32 @!p0 s17, s18;
	s18 =	sor.u32 @!p0 $0x80, s20;
	s20 =	simm.s32 @!p0 $0xF000  }
0x3d: {  	[tilespmem:s19], [sflag:$0x1] =	stream.strided.gather @!p0 [hbm4b:s17+s18], $0x4000, s20, s18, $0x38;
	[tilespmem:$0x10000] =	vst v63  }
0x3e: {  	p0 =	sge.u32 s31, s5  }
.Ltmp2:
0x3f: {  	_ = 	snop;
	(pc) =	sbr.rel @p0 .LBB1_5-.Ltmp2, $1  }
0x40: {  	_ =	sdelay $0x3  }
0x41: {  	s17 =	sand.u32 $0x4000, s9  }
0x42: {  	s18 =	sor.u32 $0x70, s17  }
0x43: {  	v1 =	vmov s18;
	_ =	sdelay $0x1  }
0x44: {  	_ =	swait.ge [sflag:s4], $0x4000  }
0x45: {  	[sflag:s4] =	ssyncset.done $0x0  }
0x46: {  	s19 =	simm.s32 $0x0;
	[sflag:s4] =	ssyncadd.s32 $0xFFFFC000  }
0x47: {  	s17 =	sor.u32 $0x8040, s17;
	v6 =	vld.idx.msk [tilespmem:v1+s19+$0x0 ss:$0x1], $0xffff  }
0x48: {  	v0 =	vmov s17;
	v8 =	vld.idx.msk [tilespmem:v1+s19+$0xFFFFFF90 ss:$0x1], $0xffff  }
0x49: {  	v7 =	vld.idx.msk [tilespmem:v1+s19+$0xFFFFFFA0 ss:$0x1], $0xffff  }
0x4a: {  	v5 =	vld.idx.msk [tilespmem:v1+s19+$0xFFFFFFB0 ss:$0x1], $0xffff  }
0x4b: {  	v4 =	vld.idx.msk [tilespmem:v1+s19+$0xFFFFFFC0 ss:$0x1], $0xffff  }
0x4c: {  	s31 =	sshll.u32 s13, $0xE;
	v2 =	vld.idx.msk [tilespmem:v1+s19+$0xFFFFFFD0 ss:$0x1], $0xffff  }
0x4d: {  	s17 =	sand.u32 $0x4000, s31;
	v3 =	vld.idx.msk [tilespmem:v1+s19+$0xFFFFFFE0 ss:$0x1], $0xffff;
	[tilespmem:v0+s19+$0x30 ss:$0x1] =	vst.idx.msk $0xffff, v6  }
0x4e: {  	s20 =	simm.s32 $0x400;
	s18 =	simm.s32 $0x80;
	s17 =	sor.u32 $0x8000, s17;
	[tilespmem:v0+s19+$0xFFFFFFC0 ss:$0x1] =	vst.idx.msk $0xffff, v8;
	v6 =	vld.idx.msk [tilespmem:v1+s19+$0xFFFFFFF0 ss:$0x1], $0xffff  }
.LBB1_3:
0x4f: {  	p0 =	sne.s32 s20, $0xFE00;
	v8 =	vld.idx.msk [tilespmem:v1+s18+$0x0 ss:$0x1], $0xffff;
	[tilespmem:v0+s19+$0xFFFFFFD0 ss:$0x1] =	vst.idx.msk $0xffff, v7  }
0x50: {  	v9 =	vld.idx.msk [tilespmem:v1+s18+$0xFFFFFF90 ss:$0x1], $0xffff;
	[tilespmem:v0+s19+$0xFFFFFFE0 ss:$0x1] =	vst.idx.msk $0xffff, v5  }
0x51: {  	v7 =	vld.idx.msk [tilespmem:v1+s18+$0xFFFFFFA0 ss:$0x1], $0xffff;
	[tilespmem:v0+s19+$0xFFFFFFF0 ss:$0x1] =	vst.idx.msk $0xffff, v4  }
.Ltmp3:
0x52: {  	v5 =	vld.idx.msk [tilespmem:v1+s18+$0xFFFFFFB0 ss:$0x1], $0xffff;
	[tilespmem:v0+s19+$0x0 ss:$0x1] =	vst.idx.msk $0xffff, v2;
	(pc) =	sbr.rel @p0 .LBB1_3-.Ltmp3, $4  }
0x53: {  	v4 =	vld.idx.msk [tilespmem:v1+s18+$0xFFFFFFC0 ss:$0x1], $0xffff;
	[tilespmem:v0+s19+$0x10 ss:$0x1] =	vst.idx.msk $0xffff, v3  }
0x54: {  	v2 =	vld.idx.msk [tilespmem:v1+s18+$0xFFFFFFD0 ss:$0x1], $0xffff;
	[tilespmem:v0+s19+$0x20 ss:$0x1] =	vst.idx.msk $0xffff, v6;
	s19 =	smov.u32 s18  }
0x55: {  	v3 =	vld.idx.msk [tilespmem:v1+s19+$0xFFFFFFE0 ss:$0x1], $0xffff;
	[tilespmem:v0+s19+$0x30 ss:$0x1] =	vst.idx.msk $0xffff, v8  }
0x56: {  	s18 =	sshra.s32 s20, $0x2;
	s20 =	sadd.s32 $0x200, s20;
	[tilespmem:v0+s19+$0xFFFFFFC0 ss:$0x1] =	vst.idx.msk $0xffff, v9;
	v6 =	vld.idx.msk [tilespmem:v1+s19+$0xFFFFFFF0 ss:$0x1], $0xffff  }
.Ltmp4:
0x57: {  	_ = 	snop;
	(pc) =	sbr.rel .LBB1_4-.Ltmp4, $1  }
0x58: {  	_ =	sdelay $0x3  }
.LBB1_6:
0x59: {  	_ =	sfence.sel $0x180000  }
0x5a: {  	s2 =	simm.s32 $0x1;
	[bflag:$0x0] =	sbarrier.arrive $0xFFFF  }
0x5b: {  	s31 =	simm.s32 $0x2;
	[sflag:s2] =	ssyncpa.u1 $0x1  }
0x5c: {  	[sflag:s31] =	ssyncpa.u1 $0x1  }
0x5d: {  	p0 =	sne.s32 s0, $0x0;
	_ =	strace $0x9000004A  }
0x5e: {  	s0 =	sadd.s32 @!p0 $0x100000, s1;
	[bflag:$0x2] =	sbarrier.arrive $0xFFFF  }
0x5f: {  	[sflag:s0] =	ssyncadd.tile.s32 @!p0 $0x1;
	_ =	shalt  }
.Lfunc_end1:
_tile_overlayer_lowered:
.L_overlay_start_2:
0x60: {  	(tag) =	ssettag $0x2  }
0x61: {  	s0 =	rddreg [dreg:$0x0];
	s2 =	stileid.u32  }
0x62: {  	s1 =	rddreg [dreg:$0x1];
	p0 =	sne.s32 s2, $0x0  }
0x63: {  	s3 =	rddreg [dreg:$0x2];
	[bflag:$0x3] =	sbarrier.arrive $0xFFFF;
	s2 =	simm.s32 @!p0 $0x1C01  }
0x64: {  	[timem:s3], [sflag:s2] =	dma.local @!p0 [hbm:s0], s1  }
0x65: {  	s0 =	simm.s32 @!p0 $0x1  }
0x66: {  	_ =	swait.ge @!p0 [sflag:s0], s1  }
0x67: {  	s1 =	ssub.s32 @!p0 $0x0, s1;
	[sflag:s0] =	ssyncset.done @!p0 $0x0  }
0x68: {  	[sflag:s0] =	ssyncadd.s32 @!p0 s1  }
0x69: {  	[bflag:$0x3] =	sbarrier.arrive $0xFFFF  }
0x6a: {  	_ =	shalt  }

</sc_bundles>
